<compile_context>
chip_gen: v7x
topology: tpu7x:2x2x1
jax: 0.10.2.dev20260603
libtpu: 0.0.44.dev20260713+nightly
codegen_flags: <defaults>
</compile_context>

<pallas_src>
import functools

import jax
import jax.numpy as jnp
from jax import lax
from jax.experimental import pallas as pl
from jax.experimental.pallas import tpu as pltpu
from jax.experimental.pallas import tpu_sc as plsc

H = 64
NC, NS = 2, 16
NW = NC * NS
CHUNK = 128
LN_EPS = 1e-12


def _combine_body(a_ref, s_ref, o_ref):
    o_ref[...] = a_ref[...] + s_ref[...]


def _combine_tables(abspos_table, segment_table):
    n = abspos_table.shape[0]
    blk = 1000
    return pl.pallas_call(
        _combine_body,
        out_shape=jax.ShapeDtypeStruct(abspos_table.shape, abspos_table.dtype),
        grid=(n // blk,),
        in_specs=[
            pl.BlockSpec((blk, H), lambda i: (i, 0)),
            pl.BlockSpec((blk, H), lambda i: (i, 0)),
        ],
        out_specs=pl.BlockSpec((blk, H), lambda i: (i, 0)),
    )(abspos_table, segment_table)


def _rsqrt16(x):
    i = plsc.bitcast(x, jnp.int32)
    y = plsc.bitcast(jnp.int32(0x5F3759DF) - (i >> 1), jnp.float32)
    for _ in range(3):
        y = y * (1.5 - 0.5 * x * y * y)
    return y


def _sc_kernel_body(T, cidx_hbm, pidx_hbm, aidx_hbm, ctab_hbm, gtab_hbm,
                    atab_hbm, gam_hbm, bet_hbm, out_hbm,
                    cidx_v, pidx_v, aidx_v, crow, grow, arow, orow,
                    gam_v, bet_v, isem, sem, osem):
    wid = lax.axis_index("s") * NC + lax.axis_index("c")
    base = wid * T

    pltpu.sync_copy(gam_hbm, gam_v)
    pltpu.sync_copy(bet_hbm, bet_v)

    gams = [gam_v[pl.ds(16 * k, 16)] for k in range(4)]
    bets = [bet_v[pl.ds(16 * k, 16)] for k in range(4)]

    num_chunks = T // CHUNK

    def chunk_body(ci, _):
        t0 = ci * CHUNK
        i1 = pltpu.async_copy(cidx_hbm.at[pl.ds(base + t0, CHUNK)], cidx_v, isem)
        i2 = pltpu.async_copy(pidx_hbm.at[pl.ds(base + t0, CHUNK)], pidx_v, isem)
        i3 = pltpu.async_copy(aidx_hbm.at[pl.ds(base + t0, CHUNK)], aidx_v, isem)
        i1.wait()
        i2.wait()
        i3.wait()
        c1 = pltpu.async_copy(ctab_hbm.at[cidx_v], crow, sem)
        c2 = pltpu.async_copy(gtab_hbm.at[pidx_v], grow, sem)
        c3 = pltpu.async_copy(atab_hbm.at[aidx_v], arow, sem)
        c1.wait()
        c2.wait()
        c3.wait()

        def tok(t, _):
            e = [crow[t, pl.ds(16 * k, 16)] + grow[t, pl.ds(16 * k, 16)]
                 + arow[t, pl.ds(16 * k, 16)] for k in range(4)]
            tot = jnp.sum((e[0] + e[1]) + (e[2] + e[3]))
            mean = tot * (1.0 / H)
            totsq = jnp.sum((e[0] * e[0] + e[1] * e[1])
                            + (e[2] * e[2] + e[3] * e[3]))
            var = jnp.maximum(totsq * (1.0 / H) - mean * mean, 0.0)
            rstd = _rsqrt16(jnp.full((16,), var + LN_EPS, jnp.float32))
            for k in range(4):
                orow[t, pl.ds(16 * k, 16)] = (e[k] - mean) * rstd * gams[k] + bets[k]
            return 0

        lax.fori_loop(0, CHUNK, tok, 0)
        pltpu.async_copy(orow, out_hbm.at[pl.ds(base + t0, CHUNK)], osem).wait()
        return 0

    lax.fori_loop(0, num_chunks, chunk_body, 0)


def kernel(concepts, ages, abspos, segments, concept_table, age_table,
           abspos_table, segment_table, ln_gamma, ln_beta):
    B, L = concepts.shape
    N = B * L
    T = N // NW

    gtab = _combine_tables(abspos_table, segment_table)

    cidx = concepts.reshape(N).astype(jnp.int32)
    pidx = abspos.reshape(N).astype(jnp.int32)
    aidx = ages.reshape(N).astype(jnp.int32)

    mesh = plsc.VectorSubcoreMesh(core_axis_name="c", subcore_axis_name="s")
    run = functools.partial(
        pl.kernel,
        out_type=jax.ShapeDtypeStruct((N, H), jnp.float32),
        mesh=mesh,
        compiler_params=pltpu.CompilerParams(needs_layout_passes=False, use_tc_tiling_on_sc=False),
        scratch_types=[
            pltpu.VMEM((CHUNK,), jnp.int32),
            pltpu.VMEM((CHUNK,), jnp.int32),
            pltpu.VMEM((CHUNK,), jnp.int32),
            pltpu.VMEM((CHUNK, H), jnp.float32),
            pltpu.VMEM((CHUNK, H), jnp.float32),
            pltpu.VMEM((CHUNK, H), jnp.float32),
            pltpu.VMEM((CHUNK, H), jnp.float32),
            pltpu.VMEM((H,), jnp.float32),
            pltpu.VMEM((H,), jnp.float32),
            pltpu.SemaphoreType.DMA,
            pltpu.SemaphoreType.DMA,
            pltpu.SemaphoreType.DMA,
        ],
    )(functools.partial(_sc_kernel_body, T))

    out = run(cidx, pidx, aidx, concept_table, gtab, age_table,
              ln_gamma, ln_beta)
    return out.reshape(B, L, H)

# --- scband reference (transcript-rebuilt; emitter-appended) ---
"""Pipeline reference for scband-ehr-embeddings-85255100826183 (READ-ONLY COPY).

The authoritative reference and input builder live on the scoring server;
editing this copy changes nothing except your own understanding.
"""

import jax, jax.numpy as jnp
import numpy as np

B, L, H = 4096, 200, 64
VOCAB = 100000
N_AGE = 100
N_ABSPOS = 10000
TYPE_VOCAB = 10000
LN_EPS = 1e-12


def setup_inputs(seed: int = 0) -> dict:
    key = jax.random.key(seed)
    ks = jax.random.split(key, 9)
    concepts = jax.random.randint(ks[0], (B, L), 0, VOCAB, dtype=jnp.int64 if jax.config.jax_enable_x64 else jnp.int32)
    ages = jax.random.randint(ks[1], (B, L), 0, N_AGE)
    abspos = jax.random.randint(ks[2], (B, L), 0, N_ABSPOS)
    segments = jax.random.randint(ks[3], (B, L), 0, TYPE_VOCAB)
    concept_table = jax.random.normal(ks[4], (VOCAB, H), dtype=jnp.float32) * 0.02
    age_table = jax.random.normal(ks[5], (N_AGE, H), dtype=jnp.float32) * 0.02
    abspos_table = jax.random.normal(ks[6], (N_ABSPOS, H), dtype=jnp.float32) * 0.02
    segment_table = jax.random.normal(ks[7], (TYPE_VOCAB, H), dtype=jnp.float32) * 0.02
    ln_gamma = jnp.ones((H,), dtype=jnp.float32)
    ln_beta = jnp.zeros((H,), dtype=jnp.float32)
    return {
        'concepts': concepts,
        'ages': ages,
        'abspos': abspos,
        'segments': segments,
        'concept_table': concept_table,
        'age_table': age_table,
        'abspos_table': abspos_table,
        'segment_table': segment_table,
        'ln_gamma': ln_gamma,
        'ln_beta': ln_beta,
    }


def reference(concepts, ages, abspos, segments, concept_table, age_table, abspos_table, segment_table, ln_gamma, ln_beta):
    concepts_embedded = jnp.take(concept_table, concepts, axis=0)
    ages_embedded = jnp.take(age_table, ages, axis=0)
    abspos_embedded = jnp.take(abspos_table, abspos, axis=0)
    # NOTE: faithful to the original module's bug - segment embeddings are
    # indexed with `abspos`, not `segments`.
    segments_embedded = jnp.take(segment_table, abspos, axis=0)
    embeddings = concepts_embedded + ages_embedded + abspos_embedded + segments_embedded
    mean = jnp.mean(embeddings, axis=-1, keepdims=True)
    var = jnp.mean(jnp.square(embeddings - mean), axis=-1, keepdims=True)
    embeddings = (embeddings - mean) / jnp.sqrt(var + LN_EPS) * ln_gamma + ln_beta
    # dropout in eval mode: identity
    return embeddings

if __name__ == "__main__":
    import jax
    _d = setup_inputs()
    print(jax.jit(kernel)(*tuple(_d.values())))

</pallas_src>

<mosaic_0001>
#map = affine_map<(d0, d1) -> (0)>
#map1 = affine_map<(d0, d1) -> (0, 0)>
module attributes {stable_mosaic.version = 14 : i64} {
  func.func @_sc_kernel_body(%arg0: i32, %arg1: i32, %arg2: memref<819200xi32, #tpu.memory_space<hbm>>, %arg3: memref<819200xi32, #tpu.memory_space<hbm>>, %arg4: memref<819200xi32, #tpu.memory_space<hbm>>, %arg5: memref<100000x64xf32, #tpu.memory_space<hbm>>, %arg6: memref<10000x64xf32, #tpu.memory_space<hbm>>, %arg7: memref<100x64xf32, #tpu.memory_space<hbm>>, %arg8: memref<64xf32, #tpu.memory_space<hbm>>, %arg9: memref<64xf32, #tpu.memory_space<hbm>>, %arg10: memref<819200x64xf32, #tpu.memory_space<hbm>>, %arg11: memref<128xi32, #tpu.memory_space<vmem>>, %arg12: memref<128xi32, #tpu.memory_space<vmem>>, %arg13: memref<128xi32, #tpu.memory_space<vmem>>, %arg14: memref<128x64xf32, #tpu.memory_space<vmem>>, %arg15: memref<128x64xf32, #tpu.memory_space<vmem>>, %arg16: memref<128x64xf32, #tpu.memory_space<vmem>>, %arg17: memref<128x64xf32, #tpu.memory_space<vmem>>, %arg18: memref<64xf32, #tpu.memory_space<vmem>>, %arg19: memref<64xf32, #tpu.memory_space<vmem>>, %arg20: memref<!tpu.dma_semaphore, #tpu.memory_space<semaphore_mem>>, %arg21: memref<!tpu.dma_semaphore, #tpu.memory_space<semaphore_mem>>, %arg22: memref<!tpu.dma_semaphore, #tpu.memory_space<semaphore_mem>>) attributes {dimension_semantics = [#tpu.dimension_semantics<core_parallel>, #tpu.dimension_semantics<subcore_parallel>], iteration_bounds = array<i64: 2, 16>, scalar_prefetch = 0 : i64, scratch_operands = 12 : i64, tpu.core_type = #tpu.core_type<sc_vector_subcore>, window_params = [{transform_indices = #map}, {transform_indices = #map}, {transform_indices = #map}, {transform_indices = #map1}, {transform_indices = #map1}, {transform_indices = #map1}, {transform_indices = #map}, {transform_indices = #map}, {transform_indices = #map1}]} {
    %mul3A = arith.constant 2 : i32
    %mul3A_0 = arith.muli %arg1, %mul3A : i32
    %add3A = arith.addi %mul3A_0, %arg0 : i32
    %mul3A_1 = arith.constant 25600 : i32
    %mul3A_2 = arith.muli %add3A, %mul3A_1 : i32
    "tpu.region"() ({
      %run_scoped3A = tpu.sem_alloc : memref<!tpu.dma_semaphore, #tpu.memory_space<semaphore_mem>>
      tpu.enqueue_dma source(%arg8 : memref<64xf32, #tpu.memory_space<hbm>>) target(%arg18 : memref<64xf32, #tpu.memory_space<vmem>>) target_semaphore(%run_scoped3A : memref<!tpu.dma_semaphore, #tpu.memory_space<semaphore_mem>>)
      tpu.wait_dma2 semaphore(%run_scoped3A : memref<!tpu.dma_semaphore, #tpu.memory_space<semaphore_mem>>) src(%arg8 : memref<64xf32, #tpu.memory_space<hbm>>) dst(%arg18 : memref<64xf32, #tpu.memory_space<vmem>>)
      tpu.yield
    }) : () -> ()
    "tpu.region"() ({
      %run_scoped3A = tpu.sem_alloc : memref<!tpu.dma_semaphore, #tpu.memory_space<semaphore_mem>>
      tpu.enqueue_dma source(%arg9 : memref<64xf32, #tpu.memory_space<hbm>>) target(%arg19 : memref<64xf32, #tpu.memory_space<vmem>>) target_semaphore(%run_scoped3A : memref<!tpu.dma_semaphore, #tpu.memory_space<semaphore_mem>>)
      tpu.wait_dma2 semaphore(%run_scoped3A : memref<!tpu.dma_semaphore, #tpu.memory_space<semaphore_mem>>) src(%arg9 : memref<64xf32, #tpu.memory_space<hbm>>) dst(%arg19 : memref<64xf32, #tpu.memory_space<vmem>>)
      tpu.yield
    }) : () -> ()
    %get3A = arith.constant 0 : index
    %get3A_3 = tpu.vector_load %arg18[%get3A] {strides = array<i32>} : memref<64xf32, #tpu.memory_space<vmem>>, vector<16xf32>,
    %get3A_4 = arith.constant 16 : index
    %get3A_5 = tpu.vector_load %arg18[%get3A_4] {strides = array<i32>} : memref<64xf32, #tpu.memory_space<vmem>>, vector<16xf32>,
    %get3A_6 = arith.constant 32 : index
    %get3A_7 = tpu.vector_load %arg18[%get3A_6] {strides = array<i32>} : memref<64xf32, #tpu.memory_space<vmem>>, vector<16xf32>,
    %get3A_8 = arith.constant 48 : index
    %get3A_9 = tpu.vector_load %arg18[%get3A_8] {strides = array<i32>} : memref<64xf32, #tpu.memory_space<vmem>>, vector<16xf32>,
    %get3A_10 = arith.constant 0 : index
    %get3A_11 = tpu.vector_load %arg19[%get3A_10] {strides = array<i32>} : memref<64xf32, #tpu.memory_space<vmem>>, vector<16xf32>,
    %get3A_12 = arith.constant 16 : index
    %get3A_13 = tpu.vector_load %arg19[%get3A_12] {strides = array<i32>} : memref<64xf32, #tpu.memory_space<vmem>>, vector<16xf32>,
    %get3A_14 = arith.constant 32 : index
    %get3A_15 = tpu.vector_load %arg19[%get3A_14] {strides = array<i32>} : memref<64xf32, #tpu.memory_space<vmem>>, vector<16xf32>,
    %get3A_16 = arith.constant 48 : index
    %get3A_17 = tpu.vector_load %arg19[%get3A_16] {strides = array<i32>} : memref<64xf32, #tpu.memory_space<vmem>>, vector<16xf32>,
    %scan3A = arith.constant 0 : i32
    %scan3A_18 = arith.constant 0 : i32
    %scan3A_19 = arith.constant 200 : i32
    %scan3A_20 = arith.addi %scan3A_18, %scan3A_19 : i32
    %scan3A_21 = arith.constant 1 : i32
    %scan3A_22 = scf.for %scan3A_24 = %scan3A_18 to %scan3A_20 step %scan3A_21 iter_args(%scan3A_25 = %scan3A) -> (i32)  : i32 {
      %mul3A_26 = arith.constant 128 : i32
      %mul3A_27 = arith.muli %scan3A_24, %mul3A_26 : i32
      %add3A_28 = arith.addi %mul3A_2, %mul3A_27 : i32
      %dma_start3A = tpu.memref_slice %arg2[%add3A_28] : memref<819200xi32, #tpu.memory_space<hbm>> -> memref<128xi32, #tpu.memory_space<hbm>>
      %dma_start3A_29 = tpu.memref_slice %arg2[%add3A_28] : memref<819200xi32, #tpu.memory_space<hbm>> -> memref<128xi32, #tpu.memory_space<hbm>>
      tpu.enqueue_dma source(%dma_start3A_29 : memref<128xi32, #tpu.memory_space<hbm>>) target(%arg11 : memref<128xi32, #tpu.memory_space<vmem>>) target_semaphore(%arg20 : memref<!tpu.dma_semaphore, #tpu.memory_space<semaphore_mem>>)
      %add3A_30 = arith.addi %mul3A_2, %mul3A_27 : i32
      %dma_start3A_31 = tpu.memref_slice %arg3[%add3A_30] : memref<819200xi32, #tpu.memory_space<hbm>> -> memref<128xi32, #tpu.memory_space<hbm>>
      %dma_start3A_32 = tpu.memref_slice %arg3[%add3A_30] : memref<819200xi32, #tpu.memory_space<hbm>> -> memref<128xi32, #tpu.memory_space<hbm>>
      tpu.enqueue_dma source(%dma_start3A_32 : memref<128xi32, #tpu.memory_space<hbm>>) target(%arg12 : memref<128xi32, #tpu.memory_space<vmem>>) target_semaphore(%arg20 : memref<!tpu.dma_semaphore, #tpu.memory_space<semaphore_mem>>)
      %add3A_33 = arith.addi %mul3A_2, %mul3A_27 : i32
      %dma_start3A_34 = tpu.memref_slice %arg4[%add3A_33] : memref<819200xi32, #tpu.memory_space<hbm>> -> memref<128xi32, #tpu.memory_space<hbm>>
      %dma_start3A_35 = tpu.memref_slice %arg4[%add3A_33] : memref<819200xi32, #tpu.memory_space<hbm>> -> memref<128xi32, #tpu.memory_space<hbm>>
      tpu.enqueue_dma source(%dma_start3A_35 : memref<128xi32, #tpu.memory_space<hbm>>) target(%arg13 : memref<128xi32, #tpu.memory_space<vmem>>) target_semaphore(%arg20 : memref<!tpu.dma_semaphore, #tpu.memory_space<semaphore_mem>>)
      %dma_wait3A = tpu.memref_slice %arg2[%add3A_28] : memref<819200xi32, #tpu.memory_space<hbm>> -> memref<128xi32, #tpu.memory_space<hbm>>
      %dma_wait3A_36 = tpu.memref_slice %arg2[%add3A_28] : memref<819200xi32, #tpu.memory_space<hbm>> -> memref<128xi32, #tpu.memory_space<hbm>>
      tpu.wait_dma2 semaphore(%arg20 : memref<!tpu.dma_semaphore, #tpu.memory_space<semaphore_mem>>) src(%dma_wait3A_36 : memref<128xi32, #tpu.memory_space<hbm>>) dst(%arg11 : memref<128xi32, #tpu.memory_space<vmem>>)
      %dma_wait3A_37 = tpu.memref_slice %arg3[%add3A_30] : memref<819200xi32, #tpu.memory_space<hbm>> -> memref<128xi32, #tpu.memory_space<hbm>>
      %dma_wait3A_38 = tpu.memref_slice %arg3[%add3A_30] : memref<819200xi32, #tpu.memory_space<hbm>> -> memref<128xi32, #tpu.memory_space<hbm>>
      tpu.wait_dma2 semaphore(%arg20 : memref<!tpu.dma_semaphore, #tpu.memory_space<semaphore_mem>>) src(%dma_wait3A_38 : memref<128xi32, #tpu.memory_space<hbm>>) dst(%arg12 : memref<128xi32, #tpu.memory_space<vmem>>)
      %dma_wait3A_39 = tpu.memref_slice %arg4[%add3A_33] : memref<819200xi32, #tpu.memory_space<hbm>> -> memref<128xi32, #tpu.memory_space<hbm>>
      %dma_wait3A_40 = tpu.memref_slice %arg4[%add3A_33] : memref<819200xi32, #tpu.memory_space<hbm>> -> memref<128xi32, #tpu.memory_space<hbm>>
      tpu.wait_dma2 semaphore(%arg20 : memref<!tpu.dma_semaphore, #tpu.memory_space<semaphore_mem>>) src(%dma_wait3A_40 : memref<128xi32, #tpu.memory_space<hbm>>) dst(%arg13 : memref<128xi32, #tpu.memory_space<vmem>>)
      %dma_start3A_41 = arith.constant 0 : i32
      %dma_start3A_42 = arith.constant 0 : i32
      %dma_start3A_43 = tpu.memref_slice %arg5[%dma_start3A_41, %dma_start3A_42] : memref<100000x64xf32, #tpu.memory_space<hbm>> -> memref<100000x64xf32, #tpu.memory_space<hbm>>
      tpu.enqueue_indirect_dma source(%dma_start3A_43 : memref<100000x64xf32, #tpu.memory_space<hbm>>) target(%arg14 : memref<128x64xf32, #tpu.memory_space<vmem>>) offsets(%arg11 : memref<128xi32, #tpu.memory_space<vmem>>) semaphore(%arg21 : memref<!tpu.dma_semaphore, #tpu.memory_space<semaphore_mem>>)
      %dma_start3A_44 = arith.constant 0 : i32
      %dma_start3A_45 = arith.constant 0 : i32
      %dma_start3A_46 = tpu.memref_slice %arg6[%dma_start3A_44, %dma_start3A_45] : memref<10000x64xf32, #tpu.memory_space<hbm>> -> memref<10000x64xf32, #tpu.memory_space<hbm>>
      tpu.enqueue_indirect_dma source(%dma_start3A_46 : memref<10000x64xf32, #tpu.memory_space<hbm>>) target(%arg15 : memref<128x64xf32, #tpu.memory_space<vmem>>) offsets(%arg12 : memref<128xi32, #tpu.memory_space<vmem>>) semaphore(%arg21 : memref<!tpu.dma_semaphore, #tpu.memory_space<semaphore_mem>>)
      %dma_start3A_47 = arith.constant 0 : i32
      %dma_start3A_48 = arith.constant 0 : i32
      %dma_start3A_49 = tpu.memref_slice %arg7[%dma_start3A_47, %dma_start3A_48] : memref<100x64xf32, #tpu.memory_space<hbm>> -> memref<100x64xf32, #tpu.memory_space<hbm>>
      tpu.enqueue_indirect_dma source(%dma_start3A_49 : memref<100x64xf32, #tpu.memory_space<hbm>>) target(%arg16 : memref<128x64xf32, #tpu.memory_space<vmem>>) offsets(%arg13 : memref<128xi32, #tpu.memory_space<vmem>>) semaphore(%arg21 : memref<!tpu.dma_semaphore, #tpu.memory_space<semaphore_mem>>)
      %dma_wait3A_50 = arith.constant 0 : i32
      %dma_wait3A_51 = arith.constant 0 : i32
      %dma_wait3A_52 = tpu.memref_slice %arg5[%dma_wait3A_50, %dma_wait3A_51] : memref<100000x64xf32, #tpu.memory_space<hbm>> -> memref<100000x64xf32, #tpu.memory_space<hbm>>
      tpu.wait_indirect_dma semaphore(%arg21 : memref<!tpu.dma_semaphore, #tpu.memory_space<semaphore_mem>>) src(%dma_wait3A_52 : memref<100000x64xf32, #tpu.memory_space<hbm>>) dst(%arg14 : memref<128x64xf32, #tpu.memory_space<vmem>>)
      %dma_wait3A_53 = arith.constant 0 : i32
      %dma_wait3A_54 = arith.constant 0 : i32
      %dma_wait3A_55 = tpu.memref_slice %arg6[%dma_wait3A_53, %dma_wait3A_54] : memref<10000x64xf32, #tpu.memory_space<hbm>> -> memref<10000x64xf32, #tpu.memory_space<hbm>>
      tpu.wait_indirect_dma semaphore(%arg21 : memref<!tpu.dma_semaphore, #tpu.memory_space<semaphore_mem>>) src(%dma_wait3A_55 : memref<10000x64xf32, #tpu.memory_space<hbm>>) dst(%arg15 : memref<128x64xf32, #tpu.memory_space<vmem>>)
      %dma_wait3A_56 = arith.constant 0 : i32
      %dma_wait3A_57 = arith.constant 0 : i32
      %dma_wait3A_58 = tpu.memref_slice %arg7[%dma_wait3A_56, %dma_wait3A_57] : memref<100x64xf32, #tpu.memory_space<hbm>> -> memref<100x64xf32, #tpu.memory_space<hbm>>
      tpu.wait_indirect_dma semaphore(%arg21 : memref<!tpu.dma_semaphore, #tpu.memory_space<semaphore_mem>>) src(%dma_wait3A_58 : memref<100x64xf32, #tpu.memory_space<hbm>>) dst(%arg16 : memref<128x64xf32, #tpu.memory_space<vmem>>)
      %scan3A_59 = arith.constant 0 : i32
      %scan3A_60 = arith.constant 0 : i32
      %scan3A_61 = arith.constant 128 : i32
      %scan3A_62 = arith.addi %scan3A_60, %scan3A_61 : i32
      %scan3A_63 = arith.constant 1 : i32
      %scan3A_64 = scf.for %scan3A_76 = %scan3A_60 to %scan3A_62 step %scan3A_63 iter_args(%scan3A_77 = %scan3A_59) -> (i32)  : i32 {
        %get3A_78 = arith.index_cast %scan3A_76 : i32 to index
        %get3A_79 = arith.constant 0 : index
        %get3A_80 = tpu.vector_load %arg14[%get3A_78, %get3A_79] {strides = array<i32>} : memref<128x64xf32, #tpu.memory_space<vmem>>, vector<16xf32>,
        %get3A_81 = arith.index_cast %scan3A_76 : i32 to index
        %get3A_82 = arith.constant 0 : index
        %get3A_83 = tpu.vector_load %arg15[%get3A_81, %get3A_82] {strides = array<i32>} : memref<128x64xf32, #tpu.memory_space<vmem>>, vector<16xf32>,
        %add3A_84 = arith.addf %get3A_80, %get3A_83 : vector<16xf32>
        %get3A_85 = arith.index_cast %scan3A_76 : i32 to index
        %get3A_86 = arith.constant 0 : index
        %get3A_87 = tpu.vector_load %arg16[%get3A_85, %get3A_86] {strides = array<i32>} : memref<128x64xf32, #tpu.memory_space<vmem>>, vector<16xf32>,
        %add3A_88 = arith.addf %add3A_84, %get3A_87 : vector<16xf32>
        %get3A_89 = arith.index_cast %scan3A_76 : i32 to index
        %get3A_90 = arith.constant 16 : index
        %get3A_91 = tpu.vector_load %arg14[%get3A_89, %get3A_90] {strides = array<i32>} : memref<128x64xf32, #tpu.memory_space<vmem>>, vector<16xf32>,
        %get3A_92 = arith.index_cast %scan3A_76 : i32 to index
        %get3A_93 = arith.constant 16 : index
        %get3A_94 = tpu.vector_load %arg15[%get3A_92, %get3A_93] {strides = array<i32>} : memref<128x64xf32, #tpu.memory_space<vmem>>, vector<16xf32>,
        %add3A_95 = arith.addf %get3A_91, %get3A_94 : vector<16xf32>
        %get3A_96 = arith.index_cast %scan3A_76 : i32 to index
        %get3A_97 = arith.constant 16 : index
        %get3A_98 = tpu.vector_load %arg16[%get3A_96, %get3A_97] {strides = array<i32>} : memref<128x64xf32, #tpu.memory_space<vmem>>, vector<16xf32>,
        %add3A_99 = arith.addf %add3A_95, %get3A_98 : vector<16xf32>
        %get3A_100 = arith.index_cast %scan3A_76 : i32 to index
        %get3A_101 = arith.constant 32 : index
        %get3A_102 = tpu.vector_load %arg14[%get3A_100, %get3A_101] {strides = array<i32>} : memref<128x64xf32, #tpu.memory_space<vmem>>, vector<16xf32>,
        %get3A_103 = arith.index_cast %scan3A_76 : i32 to index
        %get3A_104 = arith.constant 32 : index
        %get3A_105 = tpu.vector_load %arg15[%get3A_103, %get3A_104] {strides = array<i32>} : memref<128x64xf32, #tpu.memory_space<vmem>>, vector<16xf32>,
        %add3A_106 = arith.addf %get3A_102, %get3A_105 : vector<16xf32>
        %get3A_107 = arith.index_cast %scan3A_76 : i32 to index
        %get3A_108 = arith.constant 32 : index
        %get3A_109 = tpu.vector_load %arg16[%get3A_107, %get3A_108] {strides = array<i32>} : memref<128x64xf32, #tpu.memory_space<vmem>>, vector<16xf32>,
        %add3A_110 = arith.addf %add3A_106, %get3A_109 : vector<16xf32>
        %get3A_111 = arith.index_cast %scan3A_76 : i32 to index
        %get3A_112 = arith.constant 48 : index
        %get3A_113 = tpu.vector_load %arg14[%get3A_111, %get3A_112] {strides = array<i32>} : memref<128x64xf32, #tpu.memory_space<vmem>>, vector<16xf32>,
        %get3A_114 = arith.index_cast %scan3A_76 : i32 to index
        %get3A_115 = arith.constant 48 : index
        %get3A_116 = tpu.vector_load %arg15[%get3A_114, %get3A_115] {strides = array<i32>} : memref<128x64xf32, #tpu.memory_space<vmem>>, vector<16xf32>,
        %add3A_117 = arith.addf %get3A_113, %get3A_116 : vector<16xf32>
        %get3A_118 = arith.index_cast %scan3A_76 : i32 to index
        %get3A_119 = arith.constant 48 : index
        %get3A_120 = tpu.vector_load %arg16[%get3A_118, %get3A_119] {strides = array<i32>} : memref<128x64xf32, #tpu.memory_space<vmem>>, vector<16xf32>,
        %add3A_121 = arith.addf %add3A_117, %get3A_120 : vector<16xf32>
        %add3A_122 = arith.addf %add3A_88, %add3A_99 : vector<16xf32>
        %add3A_123 = arith.addf %add3A_110, %add3A_121 : vector<16xf32>
        %add3A_124 = arith.addf %add3A_122, %add3A_123 : vector<16xf32>
        %reduce_sum3A = arith.constant true
        %reduce_sum3A_125 = vector.broadcast %reduce_sum3A : i1 to vector<16xi1>
        %reduce_sum3A_126 = tpu.scan <sum>, %add3A_124 masked %reduce_sum3A_125 : vector<16xf32>, vector<16xi1> -> vector<16xf32>
        %reduce_sum3A_127 = vector.extract %reduce_sum3A_126[15] : f32 from vector<16xf32>
        %mul3A_128 = arith.constant 1.562500e-02 : f32
        %mul3A_129 = arith.mulf %reduce_sum3A_127, %mul3A_128 : f32
        %mul3A_130 = arith.mulf %add3A_88, %add3A_88 : vector<16xf32>
        %mul3A_131 = arith.mulf %add3A_99, %add3A_99 : vector<16xf32>
        %add3A_132 = arith.addf %mul3A_130, %mul3A_131 : vector<16xf32>
        %mul3A_133 = arith.mulf %add3A_110, %add3A_110 : vector<16xf32>
        %mul3A_134 = arith.mulf %add3A_121, %add3A_121 : vector<16xf32>
        %add3A_135 = arith.addf %mul3A_133, %mul3A_134 : vector<16xf32>
        %add3A_136 = arith.addf %add3A_132, %add3A_135 : vector<16xf32>
        %reduce_sum3A_137 = arith.constant true
        %reduce_sum3A_138 = vector.broadcast %reduce_sum3A_137 : i1 to vector<16xi1>
        %reduce_sum3A_139 = tpu.scan <sum>, %add3A_136 masked %reduce_sum3A_138 : vector<16xf32>, vector<16xi1> -> vector<16xf32>
        %reduce_sum3A_140 = vector.extract %reduce_sum3A_139[15] : f32 from vector<16xf32>
        %mul3A_141 = arith.constant 1.562500e-02 : f32
        %mul3A_142 = arith.mulf %reduce_sum3A_140, %mul3A_141 : f32
        %mul3A_143 = arith.mulf %mul3A_129, %mul3A_129 : f32
        %sub3A = arith.subf %mul3A_142, %mul3A_143 : f32
        %max3A = arith.constant 0.000000e+00 : f32
        %max3A_144 = arith.maximumf %sub3A, %max3A : f32
        %add3A_145 = arith.constant 9.99999996E-13 : f32
        %add3A_146 = arith.addf %max3A_144, %add3A_145 : f32
        %broadcast_in_dim3A = vector.broadcast %add3A_146 : f32 to vector<16xf32>
        %bitcast3A = vector.bitcast %broadcast_in_dim3A : vector<16xf32> to vector<16xi32>
        %shift_right_arithmetic3A = arith.constant 1 : i32
        %shift_right_arithmetic3A_147 = vector.broadcast %shift_right_arithmetic3A : i32 to vector<16xi32>
        %shift_right_arithmetic3A_148 = arith.shrsi %bitcast3A, %shift_right_arithmetic3A_147 : vector<16xi32>
        %sub3A_149 = arith.constant 1597463007 : i32
        %sub3A_150 = vector.broadcast %sub3A_149 : i32 to vector<16xi32>
        %sub3A_151 = arith.subi %sub3A_150, %shift_right_arithmetic3A_148 : vector<16xi32>
        %bitcast3A_152 = vector.bitcast %sub3A_151 : vector<16xi32> to vector<16xf32>
        %mul3A_153 = arith.constant 5.000000e-01 : f32
        %mul3A_154 = vector.broadcast %mul3A_153 : f32 to vector<16xf32>
        %mul3A_155 = arith.mulf %mul3A_154, %broadcast_in_dim3A : vector<16xf32>
        %mul3A_156 = arith.mulf %mul3A_155, %bitcast3A_152 : vector<16xf32>
        %mul3A_157 = arith.mulf %mul3A_156, %bitcast3A_152 : vector<16xf32>
        %sub3A_158 = arith.constant 1.500000e+00 : f32
        %sub3A_159 = vector.broadcast %sub3A_158 : f32 to vector<16xf32>
        %sub3A_160 = arith.subf %sub3A_159, %mul3A_157 : vector<16xf32>
        %mul3A_161 = arith.mulf %bitcast3A_152, %sub3A_160 : vector<16xf32>
        %mul3A_162 = arith.constant 5.000000e-01 : f32
        %mul3A_163 = vector.broadcast %mul3A_162 : f32 to vector<16xf32>
        %mul3A_164 = arith.mulf %mul3A_163, %broadcast_in_dim3A : vector<16xf32>
        %mul3A_165 = arith.mulf %mul3A_164, %mul3A_161 : vector<16xf32>
        %mul3A_166 = arith.mulf %mul3A_165, %mul3A_161 : vector<16xf32>
        %sub3A_167 = arith.constant 1.500000e+00 : f32
        %sub3A_168 = vector.broadcast %sub3A_167 : f32 to vector<16xf32>
        %sub3A_169 = arith.subf %sub3A_168, %mul3A_166 : vector<16xf32>
        %mul3A_170 = arith.mulf %mul3A_161, %sub3A_169 : vector<16xf32>
        %mul3A_171 = arith.constant 5.000000e-01 : f32
        %mul3A_172 = vector.broadcast %mul3A_171 : f32 to vector<16xf32>
        %mul3A_173 = arith.mulf %mul3A_172, %broadcast_in_dim3A : vector<16xf32>
        %mul3A_174 = arith.mulf %mul3A_173, %mul3A_170 : vector<16xf32>
        %mul3A_175 = arith.mulf %mul3A_174, %mul3A_170 : vector<16xf32>
        %sub3A_176 = arith.constant 1.500000e+00 : f32
        %sub3A_177 = vector.broadcast %sub3A_176 : f32 to vector<16xf32>
        %sub3A_178 = arith.subf %sub3A_177, %mul3A_175 : vector<16xf32>
        %mul3A_179 = arith.mulf %mul3A_170, %sub3A_178 : vector<16xf32>
        %sub3A_180 = vector.broadcast %mul3A_129 : f32 to vector<16xf32>
        %sub3A_181 = arith.subf %add3A_88, %sub3A_180 : vector<16xf32>
        %mul3A_182 = arith.mulf %sub3A_181, %mul3A_179 : vector<16xf32>
        %mul3A_183 = arith.mulf %mul3A_182, %get3A_3 : vector<16xf32>
        %add3A_184 = arith.addf %mul3A_183, %get3A_11 : vector<16xf32>
        %swap3A = arith.index_cast %scan3A_76 : i32 to index
        %swap3A_185 = arith.constant 0 : index
        %swap3A_186 = tpu.vector_load %arg17[%swap3A, %swap3A_185] {strides = array<i32>} : memref<128x64xf32, #tpu.memory_space<vmem>>, vector<16xf32>,
        tpu.vector_store %arg17[%swap3A, %swap3A_185], %add3A_184 {strides = array<i32>} : memref<128x64xf32, #tpu.memory_space<vmem>>, vector<16xf32>,
        %sub3A_187 = vector.broadcast %mul3A_129 : f32 to vector<16xf32>
        %sub3A_188 = arith.subf %add3A_99, %sub3A_187 : vector<16xf32>
        %mul3A_189 = arith.mulf %sub3A_188, %mul3A_179 : vector<16xf32>
        %mul3A_190 = arith.mulf %mul3A_189, %get3A_5 : vector<16xf32>
        %add3A_191 = arith.addf %mul3A_190, %get3A_13 : vector<16xf32>
        %swap3A_192 = arith.index_cast %scan3A_76 : i32 to index
        %swap3A_193 = arith.constant 16 : index
        %swap3A_194 = tpu.vector_load %arg17[%swap3A_192, %swap3A_193] {strides = array<i32>} : memref<128x64xf32, #tpu.memory_space<vmem>>, vector<16xf32>,
        tpu.vector_store %arg17[%swap3A_192, %swap3A_193], %add3A_191 {strides = array<i32>} : memref<128x64xf32, #tpu.memory_space<vmem>>, vector<16xf32>,
        %sub3A_195 = vector.broadcast %mul3A_129 : f32 to vector<16xf32>
        %sub3A_196 = arith.subf %add3A_110, %sub3A_195 : vector<16xf32>
        %mul3A_197 = arith.mulf %sub3A_196, %mul3A_179 : vector<16xf32>
        %mul3A_198 = arith.mulf %mul3A_197, %get3A_7 : vector<16xf32>
        %add3A_199 = arith.addf %mul3A_198, %get3A_15 : vector<16xf32>
        %swap3A_200 = arith.index_cast %scan3A_76 : i32 to index
        %swap3A_201 = arith.constant 32 : index
        %swap3A_202 = tpu.vector_load %arg17[%swap3A_200, %swap3A_201] {strides = array<i32>} : memref<128x64xf32, #tpu.memory_space<vmem>>, vector<16xf32>,
        tpu.vector_store %arg17[%swap3A_200, %swap3A_201], %add3A_199 {strides = array<i32>} : memref<128x64xf32, #tpu.memory_space<vmem>>, vector<16xf32>,
        %sub3A_203 = vector.broadcast %mul3A_129 : f32 to vector<16xf32>
        %sub3A_204 = arith.subf %add3A_121, %sub3A_203 : vector<16xf32>
        %mul3A_205 = arith.mulf %sub3A_204, %mul3A_179 : vector<16xf32>
        %mul3A_206 = arith.mulf %mul3A_205, %get3A_9 : vector<16xf32>
        %add3A_207 = arith.addf %mul3A_206, %get3A_17 : vector<16xf32>
        %swap3A_208 = arith.index_cast %scan3A_76 : i32 to index
        %swap3A_209 = arith.constant 48 : index
        %swap3A_210 = tpu.vector_load %arg17[%swap3A_208, %swap3A_209] {strides = array<i32>} : memref<128x64xf32, #tpu.memory_space<vmem>>, vector<16xf32>,
        tpu.vector_store %arg17[%swap3A_208, %swap3A_209], %add3A_207 {strides = array<i32>} : memref<128x64xf32, #tpu.memory_space<vmem>>, vector<16xf32>,
        %scan3A_211 = arith.constant 0 : i32
        scf.yield %scan3A_211 : i32
      }
      %scan3A_65 = arith.constant 128 : i32
      %add3A_66 = arith.addi %mul3A_2, %mul3A_27 : i32
      %dma_start3A_67 = arith.constant 0 : i32
      %dma_start3A_68 = tpu.memref_slice %arg10[%add3A_66, %dma_start3A_67] : memref<819200x64xf32, #tpu.memory_space<hbm>> -> memref<128x64xf32, #tpu.memory_space<hbm>>
      %dma_start3A_69 = arith.constant 0 : i32
      %dma_start3A_70 = tpu.memref_slice %arg10[%add3A_66, %dma_start3A_69] : memref<819200x64xf32, #tpu.memory_space<hbm>> -> memref<128x64xf32, #tpu.memory_space<hbm>>
      tpu.enqueue_dma source(%arg17 : memref<128x64xf32, #tpu.memory_space<vmem>>) target(%dma_start3A_70 : memref<128x64xf32, #tpu.memory_space<hbm>>) target_semaphore(%arg22 : memref<!tpu.dma_semaphore, #tpu.memory_space<semaphore_mem>>)
      %dma_wait3A_71 = arith.constant 0 : i32
      %dma_wait3A_72 = tpu.memref_slice %arg10[%add3A_66, %dma_wait3A_71] : memref<819200x64xf32, #tpu.memory_space<hbm>> -> memref<128x64xf32, #tpu.memory_space<hbm>>
      %dma_wait3A_73 = arith.constant 0 : i32
      %dma_wait3A_74 = tpu.memref_slice %arg10[%add3A_66, %dma_wait3A_73] : memref<819200x64xf32, #tpu.memory_space<hbm>> -> memref<128x64xf32, #tpu.memory_space<hbm>>
      tpu.wait_dma2 semaphore(%arg22 : memref<!tpu.dma_semaphore, #tpu.memory_space<semaphore_mem>>) src(%arg17 : memref<128x64xf32, #tpu.memory_space<vmem>>) dst(%dma_wait3A_74 : memref<128x64xf32, #tpu.memory_space<hbm>>)
      %scan3A_75 = arith.constant 0 : i32
      scf.yield %scan3A_75 : i32
    }
    %scan3A_23 = arith.constant 200 : i32
    return
  }
}

module attributes {stable_mosaic.version = 14 : i64} {
  func.func @_combine_body(%arg0: i32, %arg1: memref<1000x64xf32, #tpu.memory_space<vmem>>, %arg2: memref<1000x64xf32, #tpu.memory_space<vmem>>, %arg3: memref<1000x64xf32, #tpu.memory_space<vmem>>) attributes {dimension_semantics = [#tpu.dimension_semantics<arbitrary>], iteration_bounds = array<i64: 10>, scalar_prefetch = 0 : i64, scratch_operands = 0 : i64, tpu.core_type = #tpu.core_type<tc>, window_params = [{transform_indices = @transform_0, window_bounds = array<i64: 1000, 64>}, {transform_indices = @transform_1, window_bounds = array<i64: 1000, 64>}, {transform_indices = @transform_2, window_bounds = array<i64: 1000, 64>}]} {
    %get3A = arith.constant 0 : index
    %get3A_0 = arith.constant 0 : index
    %get3A_1 = vector.load %arg1[%get3A, %get3A_0] : memref<1000x64xf32, #tpu.memory_space<vmem>>, vector<1000x64xf32>
    %get3A_2 = arith.constant 0 : index
    %get3A_3 = arith.constant 0 : index
    %get3A_4 = vector.load %arg2[%get3A_2, %get3A_3] : memref<1000x64xf32, #tpu.memory_space<vmem>>, vector<1000x64xf32>
    %add3A = arith.addf %get3A_1, %get3A_4 : vector<1000x64xf32>
    %swap3A = arith.constant 0 : index
    %swap3A_5 = arith.constant 0 : index
    %swap3A_6 = vector.load %arg3[%swap3A, %swap3A_5] : memref<1000x64xf32, #tpu.memory_space<vmem>>, vector<1000x64xf32>
    tpu.vector_store %arg3[%swap3A, %swap3A_5], %add3A {strides = array<i32>} : memref<1000x64xf32, #tpu.memory_space<vmem>>, vector<1000x64xf32>,
    return
  }
  func.func @transform_0(%arg0: i32) -> (i32, i32) {
    %c0_i32 = arith.constant 0 : i32
    %c0_i32_0 = arith.constant 0 : i32
    return %arg0, %c0_i32 : i32, i32
  }
  func.func @transform_1(%arg0: i32) -> (i32, i32) {
    %c0_i32 = arith.constant 0 : i32
    %c0_i32_0 = arith.constant 0 : i32
    return %arg0, %c0_i32 : i32, i32
  }
  func.func @transform_2(%arg0: i32) -> (i32, i32) {
    %c0_i32 = arith.constant 0 : i32
    %c0_i32_0 = arith.constant 0 : i32
    return %arg0, %c0_i32 : i32, i32
  }
}

</mosaic_0001>

<sc_bundles>
// kernel: kernel.4.cloned.1.call-start
scs
__scs_entry_jumppad:
0x0: {  	(pc) =	sbr.rel $0x88, $3  }
0x1: {  	(tag) =	ssettag $0x0;
	lr =	simm.s32 $0x1  }
0x2: {  	[smem:$0x3F98] =	sst lr;
	_ =	strace $0xD0000000  }
0x3: {  	_ = 	snop  }
0x4: {  	_ = 	snop  }
0x5: {  	_ = 	snop  }
0x6: {  	_ = 	snop  }
0x7: {  	_ = 	snop  }
__scs_overlays_trampoline_lowered:
0x8: {  	[smem:$0x3FA7] =	sst s0  }
0x9: {  	[smem:$0x3FA8] =	sst s1  }
0xa: {  	[smem:$0x3FA9] =	sst s2  }
0xb: {  	[smem:$0x3FAA] =	sst s3  }
0xc: {  	[smem:$0x3FAB] =	sst s4  }
0xd: {  	[smem:$0x3FAC] =	sst s5  }
0xe: {  	[smem:$0x3FAD] =	sst s6  }
0xf: {  	[smem:$0x3FAE] =	sst s7  }
0x10: {  	[smem:$0x3FAF] =	sst s8  }
0x11: {  	[smem:$0x3FB0] =	sst s9;
	s0 =	simm.s32 @!p0 $0x0  }
0x12: {  	s1 =	sld [smem:$0x3F96];
	s0 =	simm.s32 @p0 $0x1  }
0x13: {  	[smem:$0x3FB1] =	sst s0;
	s0 =	simm.s32 @!p1 $0x0  }
0x14: {  	s2 =	sld [smem:$0x3F95];
	s0 =	simm.s32 @p1 $0x1  }
0x15: {  	[smem:$0x3FB2] =	sst s0;
	s0 =	simm.s32 @!p2 $0x0  }
0x16: {  	s3 =	sld [smem:$0x3FDB];
	s0 =	simm.s32 @p2 $0x1  }
0x17: {  	s4 =	simm.s32 $0x1BF5;
	[smem:$0x3FB4] =	sst s0  }
0x18: {  	s0 =	sld [smem:$0x3F97];
	_ =	swait.ge [sflag:s4], $0x0  }
0x19: {  	s7 =	sld [smem:$0x3F98]  }
0x1a: {  	s8 =	sadd.s32 $0xFFFFE003, lr  }
0x1b: {  	s9 =	sadd.s32 $0xFFFFFEF7, lr;
	s5 =	simm.s32 $0xFFFFFFFF;
	p2 =	slt.u32 s8, $0xFFFFF086  }
0x1c: {  	p1 =	slt.u32 s9, $0xF7A;
	s5 =	simm.s32 @!p2 $0x0  }
0x1d: {  	s5 =	simm.s32 @p1 $0x1;
	p0 =	seq.s32 s7, s2  }
0x1e: {  	s7 =	smul.u32 @!p0 $0xF7A, s2;
	p2 =	seq.s32 @!p0 s5, $0x0  }
0x1f: {  	s9 =	smul.u32 $0xF7A, s1;
	s8 =	simm.s32 @!p0 $0x1BF5;
	p2 =	por !p2, p0  }
0x20: {  	[sflag:s8] =	ssyncset.s32 @!p0 $0xFFFFF086;
	s6 =	sadd.s32 @!p0 s3, s7;
	s7 =	simm.s32 @!p0 $0x108  }
0x21: {  	s3 =	sadd.s32 s3, s9;
	s6 =	sadd.s32 @!p0 $0x88, s6;
	s7 =	simm.s32 @p2 $0x1082  }
0x22: {  	[simem:s7], [sflag:s8] =	dma.local @!p0 [hbm:s6], $0xF7A  }
0x23: {  	s9 =	sor.u32 $0xD0000000, s2;
	s6 =	simm.s32 $0x108;
	_ =	swait.ge @!p0 [sflag:s8], $0x0  }
0x24: {  	s3 =	sadd.s32 $0x88, s3;
	s6 =	simm.s32 @!p1 $0x1082;
	[sflag:s4] =	ssyncset.s32 $0xFFFFF086  }
0x25: {  	[simem:s6], [sflag:s4] =	dma.local [hbm:s3], $0xF7A  }
0x26: {  	[smem:$0x3F98] =	sst s1;
	(tag) =	ssettag s2;
	_ =	strace s9  }
0x27: {  	s1 =	sld [smem:$0x3FA8]  }
0x28: {  	s2 =	sld [smem:$0x3FA9]  }
0x29: {  	s4 =	sld [smem:$0x3FAB]  }
0x2a: {  	p0 =	seq.s32 s5, $0x0;
	s5 =	sld [smem:$0x3FAC]  }
0x2b: {  	s6 =	sld [smem:$0x3FAD]  }
0x2c: {  	s7 =	sld [smem:$0x3FAE]  }
0x2d: {  	s3 =	simm.s32 $0x108;
	s8 =	sld [smem:$0x3FAF]  }
0x2e: {  	s3 =	simm.s32 @!p0 $0x1082;
	s9 =	sld [smem:$0x3FB0]  }
0x2f: {  	lr =	sadd.s32 s0, s3;
	s0 =	sld [smem:$0x3FA7]  }
0x30: {  	s3 =	sld [smem:$0x3FAA]  }
0x31: {  	[smem:$0x3FB3] =	sst s10  }
0x32: {  	s10 =	sld [smem:$0x3FB1];
	_ =	sdelay $0x3  }
0x33: {  	p0 =	seq.s32 s10, $0x1;
	s10 =	sld [smem:$0x3FB3];
	_ =	sdelay $0x3  }
0x34: {  	[smem:$0x3FB3] =	sst s10  }
0x35: {  	s10 =	sld [smem:$0x3FB2];
	_ =	sdelay $0x3  }
0x36: {  	p1 =	seq.s32 s10, $0x1;
	s10 =	sld [smem:$0x3FB3];
	_ =	sdelay $0x3  }
0x37: {  	[smem:$0x3FB3] =	sst s10  }
0x38: {  	s10 =	sld [smem:$0x3FB4]  }
0x39: {  	_ = 	snop;
	(pc) =	sbr.ind lr, $3  }
0x3a: {  	_ = 	snop  }
0x3b: {  	_ = 	snop  }
0x3c: {  	p2 =	seq.s32 s10, $0x1;
	s10 =	sld [smem:$0x3FB3]  }
0x3d: {  	_ =	shalt  }
0x3e: {  	_ =	shalt  }
0x3f: {  	_ =	shalt  }
0x40: {  	_ =	shalt  }
0x41: {  	_ =	shalt  }
0x42: {  	_ =	shalt  }
0x43: {  	_ =	shalt  }
0x44: {  	_ =	shalt  }
0x45: {  	_ =	shalt  }
0x46: {  	_ =	shalt  }
0x47: {  	_ =	shalt  }
0x48: {  	_ =	shalt  }
0x49: {  	_ =	shalt  }
0x4a: {  	_ =	shalt  }
0x4b: {  	_ =	shalt  }
0x4c: {  	_ =	shalt  }
0x4d: {  	_ =	shalt  }
0x4e: {  	_ =	shalt  }
0x4f: {  	_ =	shalt  }
0x50: {  	_ =	shalt  }
0x51: {  	_ =	shalt  }
0x52: {  	_ =	shalt  }
0x53: {  	_ =	shalt  }
0x54: {  	_ =	shalt  }
0x55: {  	_ =	shalt  }
0x56: {  	_ =	shalt  }
0x57: {  	_ =	shalt  }
0x58: {  	_ =	shalt  }
0x59: {  	_ =	shalt  }
0x5a: {  	_ =	shalt  }
0x5b: {  	_ =	shalt  }
0x5c: {  	_ =	shalt  }
0x5d: {  	_ =	shalt  }
0x5e: {  	_ =	shalt  }
0x5f: {  	_ =	shalt  }
0x60: {  	_ =	shalt  }
0x61: {  	_ =	shalt  }
0x62: {  	_ =	shalt  }
0x63: {  	_ =	shalt  }
0x64: {  	_ =	shalt  }
0x65: {  	_ =	shalt  }
0x66: {  	_ =	shalt  }
0x67: {  	_ =	shalt  }
0x68: {  	_ =	shalt  }
0x69: {  	_ =	shalt  }
0x6a: {  	_ =	shalt  }
0x6b: {  	_ =	shalt  }
0x6c: {  	_ =	shalt  }
0x6d: {  	_ =	shalt  }
0x6e: {  	_ =	shalt  }
0x6f: {  	_ =	shalt  }
0x70: {  	_ =	shalt  }
0x71: {  	_ =	shalt  }
0x72: {  	_ =	shalt  }
0x73: {  	_ =	shalt  }
0x74: {  	_ =	shalt  }
0x75: {  	_ =	shalt  }
0x76: {  	_ =	shalt  }
0x77: {  	_ =	shalt  }
0x78: {  	_ =	shalt  }
0x79: {  	_ =	shalt  }
0x7a: {  	_ =	shalt  }
0x7b: {  	_ =	shalt  }
0x7c: {  	_ =	shalt  }
0x7d: {  	_ =	shalt  }
0x7e: {  	_ =	shalt  }
0x7f: {  	_ =	shalt  }
0x80: {  	_ =	shalt  }
0x81: {  	_ =	shalt  }
0x82: {  	_ =	shalt  }
0x83: {  	_ =	shalt  }
0x84: {  	_ =	shalt  }
0x85: {  	_ =	shalt  }
0x86: {  	_ =	shalt  }
0x87: {  	_ =	shalt  }
.Lfunc_end0:
.L_simem_size_0:
called_computation.1_lowered:
.L_overlay_start_0:
0x88: {  	s2 =	sld [smem:$0x3FD9]  }
0x89: {  	s3 =	sld [smem:$0x3FFE];
	_ =	sdelay $0x1  }
0x8a: {  	s1 =	srdreg.scid  }
0x8b: {  	s0 =	sand.u32 $0x1, s1  }
0x8c: {  	s17 =	sshll.u32 s0, $0xA;
	s2 =	sadd.s32 s3, s2  }
0x8d: {  	s2 =	sadd.s32 s2, s17  }
0x8e: {  	[smem:$0x3FBF] =	sst s2  }
0x8f: {  	_ = 	snop  }
0x90: {  	s2 =	sld [smem:$0x3FC2]  }
0x91: {  	s18 =	sld [smem:$0x3FC1]  }
0x92: {  	s4 =	sld [smem:$0x3FD0];
	(tm) =	ssettm $0x1  }
0x93: {  	s5 =	sld [smem:$0x3FFB];
	_ =	sdelay $0x3  }
0x94: {  	_ =	strace s5  }
0x95: {  	s5 =	sld [smem:$0x3FFC];
	_ =	sdelay $0x3  }
0x96: {  	_ =	strace s5  }
0x97: {  	s5 =	sld [smem:$0x3FFD];
	_ =	sdelay $0x3  }
0x98: {  	_ =	strace s5  }
0x99: {  	_ =	strace $0x8FFFFFFF  }
0x9a: {  	s19 =	sld [smem:$0x3FDB];
	_ =	sdelay $0x1  }
0x9b: {  	s6 =	simm.s32 $_scs_section_size  }
0x9c: {  	s7 =	simm.s32 $_size__tile_overlayer_lowered;
	s8 =	simm.s32 $_tile_overlayer_lowered  }
0x9d: {  	s22 =	simm.s32 $0x1BFF;
	s21 =	sshll.u32 s8, $0x1;
	s5 =	sadd.s32 s6, s19  }
0x9e: {  	s9 =	simm.s32 $0x0;
	s20 =	sshll.u32 s7, $0x1;
	s7 =	sadd.s32 s21, s5  }
0x9f: {  	[timem:s9], [sflag:s22] =	dma.local [hbm:s7], s20  }
0xa0: {  	_ =	swait.ge [sflag:s22], s20  }
0xa1: {  	s6 =	ssub.s32 $0x0, s20;
	[sflag:s22] =	ssyncset.done $0x0  }
0xa2: {  	[sflag:s22] =	ssyncadd.s32 s6;
	_ =	sdelay $0x1  }
0xa3: {  	s23 =	simm.s32 $0x1B8B  }
0xa4: {  	_ =	swait.ge [sflag:s23], $0x1  }
0xa5: {  	[sflag:s23] =	ssyncset.done $0x0  }
0xa6: {  	s25 =	simm.s32 $0x1B8E;
	s24 =	sld [smem:$0x3FFE];
	[sflag:s23] =	ssyncadd.s32 $0xFFFFFFFF  }
0xa7: {  	s26 =	simm.s32 $execute0_lowered;
	[smem:$0x3FD2] =	sst s25  }
0xa8: {  	s7 =	sshll.u32 s26, $0x1;
	_ =	strace $0x80000046;
	[dreg:$0x1] =	wrdreg $0xFFFFFFFF  }
0xa9: {  	s28 =	simm.s32 $_size_execute0_lowered;
	s5 =	sadd.s32 s5, s7;
	[dreg:$0x0] =	wrdreg $0x0  }
0xaa: {  	s7 =	sshll.u32 s28, $0x1;
	[dreg:$0x2] =	wrdreg s5  }
0xab: {  	[dreg:$0x3] =	wrdreg s7  }
0xac: {  	[dreg:$0x4] =	wrdreg $0xC0  }
0xad: {  	_ =	task [dreg:s9], $0x5FFFF  }
0xae: {  	[dreg:$0x1] =	wrdreg $0xFFFFFFFF  }
0xaf: {  	[dreg:$0x0] =	wrdreg $0x60  }
0xb0: {  	[dreg:$0x2] =	wrdreg s24  }
0xb1: {  	[dreg:$0x3] =	wrdreg s2  }
0xb2: {  	[dreg:$0x4] =	wrdreg s18  }
0xb3: {  	[dreg:$0x5] =	wrdreg s4  }
0xb4: {  	[dreg:$0x6] =	wrdreg $0x9  }
0xb5: {  	_ =	task.clear_ibuf [dreg:s9], $0x7FFFF;
	_ =	strace $0x90000046  }
0xb6: {  	s29 =	simm.s32 $0x9;
	_ =	strace $0x80000048  }
0xb7: {  	_ =	swait.ge [sflag:s29], $0x1  }
0xb8: {  	[sflag:s29] =	ssyncadd.s32 $0xFFFFFFFF  }
0xb9: {  	_ =	strace $0x90000048  }
0xba: {  	_ =	sfence  }
0xbb: {  	s30 =	sld [smem:$0x0];
	_ =	sdelay $0x2  }
0xbc: {  	s31 =	sshll.u32 s1, $0xD;
	s1 =	sshrl.u32 s1, $0x2  }
0xbd: {  	s3 =	sand.u32 $0x4000, s31;
	s1 =	sadd.s32 s1, s30  }
0xbe: {  	s0 =	sor.u32 s3, s0;
	s1 =	sshll.u32 s1, $0x11  }
0xbf: {  	s0 =	sor.u32 s1, s0  }
0xc0: {  	s0 =	sadd.s32 $0x8F2B, s0  }
0xc1: {  	[sflag:s0] =	ssyncadd.remote.s32 $0x1  }
0xc2: {  	_ =	sfence.sel $0xFFFF  }
0xc3: {  	[dreg:$0x0] =	wrdreg $0xFFFFFFFF;
	(pc) =	sbr.abs _section_cstart, $3  }
0xc4: {  	[dreg:$0x1] =	wrdreg $0xFFFFFFFF  }
0xc5: {  	_ =	task.clear_ibuf [dreg:s9], $0x2FFFF;
	_ =	strace $0x9FFFFFFF  }
0xc6: {  	(tm) =	ssettm $0x7FFFFFFF  }
0xc7: {  	_ =	shalt  }
tec
execute0_lowered:
.L_overlay_start_1:
0x0: {  	(tag) =	ssettag $0x1  }
0x1: {  	s0 =	rddreg [dreg:$0x0]  }
0x2: {  	s3 =	rddreg [dreg:$0x3]  }
0x3: {  	s4 =	simm.s32 $0x0;
	s1 =	srdreg.scid;
	s11 =	stileid.u32  }
0x4: {  	s17 =	simm.s32 $0x80;
	s18 =	simm.s32 $0x100;
	s19 =	simm.s32 $0x1  }
0x5: {  	s20 =	simm.s32 $0x180;
	s21 =	simm.s32 $0x2180;
	s22 =	simm.s32 $0x4180  }
0x6: {  	s23 =	simm.s32 $0x2;
	s24 =	simm.s32 $0x6180;
	s25 =	simm.s32 $0x3  }
0x7: {  	[smem:$0x7FF] =	sst s4;
	s5 =	sadd.s32 $0x1400, s0;
	s1 =	sand.u32 $0x1, s1  }
0x8: {  	s7 =	sadd.s32 $0x33400, s0;
	s8 =	sadd.s32 $0x1A400, s0;
	s2 =	ssub.s32 $0x2, s1  }
0x9: {  	s9 =	sadd.s32 $0x5FE00, s0;
	s10 =	sadd.s32 $0x4C400, s0;
	s6 =	sshrl.u32 s2, $0x1  }
0xa: {  	s12 =	sshll.u32 s11, $0x1;
	s11 =	sadd.s32 $0x1000, s0;
	s31 =	ssub.s32 s2, s6  }
0xb: {  	_ =	strace $0x80000047;
	s1 =	sor.u32 s1, s12;
	s0 =	smax.u32 s31, $0x1  }
0xc: {  	s12 =	smul.u32 $0x6400, s1;
	s1 =	simm.s32 $0x0;
	[dreg:$0x5] =	wrdreg s0  }
.LBB2_1:
0xd: {  	[dreg:$0x6] =	wrdreg s1  }
0xe: {  	s0 =	rddreg [dreg:$0x1];
	s29 =	simm.s32 $0x8180;
	s30 =	simm.s32 $0x4  }
0xf: {  	[tilespmem:s29], [sflag:$0x4] =	stream.linear.gather [hbm4b:s0+s4], $0x40, $0x38;
	[tilespmem:$0x8200] =	vst v63  }
0x10: {  	_ =	swait.ge [sflag:s30], $0x40  }
0x11: {  	[sflag:s30] =	ssyncset.done $0x0  }
0x12: {  	[sflag:s30] =	ssyncadd.s32 $0xFFFFFFC0  }
0x13: {  	s2 =	simm.s32 $0x81C0;
	s31 =	rddreg [dreg:$0x2]  }
0x14: {  	[tilespmem:s2], [sflag:$0x4] =	stream.linear.gather [hbm4b:s31+s4], $0x40, $0x38;
	[tilespmem:$0x8200] =	vst v63  }
0x15: {  	_ =	swait.ge [sflag:s30], $0x40  }
0x16: {  	[sflag:s30] =	ssyncset.done $0x0  }
0x17: {  	[sflag:s30] =	ssyncadd.s32 $0xFFFFFFC0  }
0x18: {  	v0 =	vld [tilespmem:$0x8180]  }
0x19: {  	v1 =	vld [tilespmem:$0x8190]  }
0x1a: {  	v2 =	vld [tilespmem:$0x81A0]  }
0x1b: {  	v3 =	vld [tilespmem:$0x81B0]  }
0x1c: {  	v4 =	vld [tilespmem:$0x81C0]  }
0x1d: {  	v5 =	vld [tilespmem:$0x81D0]  }
0x1e: {  	v6 =	vld [tilespmem:$0x81E0]  }
0x1f: {  	s28 =	simm.s32 $0x0;
	v7 =	vld [tilespmem:$0x81F0]  }
.LBB2_2:
0x20: {  	s0 =	sshll.u32 s28, $0x7  }
0x21: {  	s29 =	sadd.s32 s12, s0  }
0x22: {  	s0 =	sshrl.u32 s29, $0x3  }
0x23: {  	s2 =	simm.s32 $0x0;
	s1 =	sadd.s32 s5, s0  }
0x24: {  	[tilespmem:s2], [sflag:$0x1] =	stream.linear.gather [hbm4b:s1+s2], $0x80, $0x38;
	[tilespmem:$0x8200] =	vst v63  }
0x25: {  	s14 =	sadd.s32 s7, s0  }
0x26: {  	[tilespmem:s17], [sflag:$0x1] =	stream.linear.gather [hbm4b:s14+s2], $0x80, $0x38;
	[tilespmem:$0x8200] =	vst v63  }
0x27: {  	s0 =	sadd.s32 s8, s0  }
0x28: {  	[tilespmem:s18], [sflag:$0x1] =	stream.linear.gather [hbm4b:s0+s2], $0x80, $0x38;
	[tilespmem:$0x8200] =	vst v63  }
0x29: {  	_ =	swait.ge [sflag:s19], $0x80  }
0x2a: {  	[sflag:s19] =	ssyncset.done $0x0  }
0x2b: {  	[sflag:s19] =	ssyncadd.s32 $0xFFFFFF80  }
0x2c: {  	_ =	swait.ge [sflag:s19], $0x80  }
0x2d: {  	[sflag:s19] =	ssyncset.done $0x0  }
0x2e: {  	[sflag:s19] =	ssyncadd.s32 $0xFFFFFF80  }
0x2f: {  	_ =	swait.ge [sflag:s19], $0x80  }
0x30: {  	[sflag:s19] =	ssyncset.done $0x0  }
0x31: {  	[sflag:s19] =	ssyncadd.s32 $0xFFFFFF80  }
0x32: {  	[tilespmem:s20], [sflag:$0x2] =	stream.indirect.gather [hbm4b:s9+s17], $0x40, s2, s17, $0xb8;
	[tilespmem:$0x8200] =	vst v63  }
0x33: {  	_ = 	snop  }
0x34: {  	[tilespmem:s21], [sflag:$0x2] =	stream.indirect.gather [hbm4b:s10+s17], $0x40, s17, s17, $0xb8;
	[tilespmem:$0x8200] =	vst v63  }
0x35: {  	_ = 	snop  }
0x36: {  	[tilespmem:s22], [sflag:$0x2] =	stream.indirect.gather [hbm4b:s11+s17], $0x40, s18, s17, $0xb8;
	[tilespmem:$0x8200] =	vst v63  }
0x37: {  	_ =	swait.ge [sflag:s23], $0x2000  }
0x38: {  	[sflag:s23] =	ssyncset.done $0x0  }
0x39: {  	[sflag:s23] =	ssyncadd.s32 $0xFFFFE000  }
0x3a: {  	_ =	swait.ge [sflag:s23], $0x2000  }
0x3b: {  	[sflag:s23] =	ssyncset.done $0x0  }
0x3c: {  	[sflag:s23] =	ssyncadd.s32 $0xFFFFE000  }
0x3d: {  	_ =	swait.ge [sflag:s23], $0x2000  }
0x3e: {  	[sflag:s23] =	ssyncset.done $0x0  }
0x3f: {  	s30 =	simm.s32 $0x0;
	[sflag:s23] =	ssyncadd.s32 $0xFFFFE000  }
0x40: {  	v8 =	vld [tilespmem:s30+$0x4180]  }
0x41: {  	v9 =	vld [tilespmem:s30+$0x180]  }
0x42: {  	v10 =	vld [tilespmem:s30+$0x2180]  }
0x43: {  	v11 =	vld [tilespmem:s30+$0x190]  }
0x44: {  	v12 =	vld [tilespmem:s30+$0x2190]  }
0x45: {  	v13 =	vld [tilespmem:s30+$0x1A0]  }
0x46: {  	v14 =	vld [tilespmem:s30+$0x21A0]  }
0x47: {  	v15 =	vld [tilespmem:s30+$0x1B0]  }
0x48: {  	v16 =	vld [tilespmem:s30+$0x21B0]  }
0x49: {  	v17 =	vld [tilespmem:s30+$0x4190]  }
0x4a: {  	v18 =	vld [tilespmem:s30+$0x41A0]  }
0x4b: {  	v19 =	vld [tilespmem:s30+$0x41B0];
	_ =	sdelay $0x1  }
0x4c: {  	v9 =	vadd.f32 v10, v9;
	v10 =	vadd.f32 v12, v11  }
0x4d: {  	v11 =	vadd.f32 v14, v13;
	v12 =	vadd.f32 v16, v15  }
0x4e: {  	v23 =	vadd.f32 v8, v9;
	v22 =	vadd.f32 v17, v10  }
0x4f: {  	v17 =	vadd.f32 v18, v11;
	v24 =	vadd.f32 v19, v12  }
0x50: {  	v8 =	vadd.f32 v22, v23  }
0x51: {  	s31 =	simm.s32 $0x40;
	v9 =	vmul.f32 v23, v23;
	v11 =	vadd.f32 v24, v17;
	v12 =	vmul.f32 v22, v22  }
0x52: {  	v14 =	vld [tilespmem:s31+$0x180];
	v13 =	vmul.f32 v17, v17;
	v15 =	vmul.f32 v24, v24  }
0x53: {  	v16 =	vld [tilespmem:s31+$0x2180];
	v8 =	vadd.f32 v11, v8  }
0x54: {  	v10 =	vld [tilespmem:s31+$0x4180];
	v9 =	vadd.f32 v12, v9;
	v12 =	vadd.f32 v15, v13  }
0x55: {  	v11 =	vld [tilespmem:s31+$0x190];
	(xrf2) =	vadd.scan.msk.f32 $0xffff, v8  }
0x56: {  	v15 =	vld [tilespmem:s31+$0x1B0];
	v9 =	vadd.f32 v12, v9  }
0x57: {  	v8 =	vld [tilespmem:s31+$0x1A0]  }
0x58: {  	v12 =	vld [tilespmem:s31+$0x21A0];
	(xrf2) =	vadd.scan.msk.f32 $0xffff, v9  }
0x59: {  	v9 =	vld [tilespmem:s31+$0x21B0]  }
0x5a: {  	v13 =	vld [tilespmem:s31+$0x2190]  }
0x5b: {  	v20 =	vld [tilespmem:s31+$0x41B0]  }
0x5c: {  	v18 =	vld [tilespmem:s31+$0x4190]  }
0x5d: {  	v19 =	vld [tilespmem:s31+$0x41A0];
	v14 =	vadd.f32 v16, v14  }
0x5e: {  	v8 =	vadd.f32 v12, v8;
	v12 =	vadd.f32 v9, v15  }
0x5f: {  	v14 =	vadd.f32 v10, v14;
	v11 =	vadd.f32 v13, v11;
	v10, _, _ =	vpop (xrf2)  }
0x60: {  	(v2sf) =	vpush v10, $0xF  }
0x61: {  	v9 =	vadd.f32 v18, v11  }
0x62: {  	v8 =	vadd.f32 v19, v8;
	v11 =	vadd.f32 v20, v12;
	v12, _, _ =	vpop (xrf2)  }
0x63: {  	(v2sf) =	vpush v12, $0xF  }
0x64: {  	v10 =	vadd.f32 v9, v14;
	v12 =	vadd.f32 v11, v8;
	_ =	sdelay $0x1  }
0x65: {  	v10 =	vadd.f32 v12, v10  }
0x66: {  	s0 =	simm.s32 $0x80;
	v13 =	vmul.f32 v14, v14;
	v15 =	vmul.f32 v9, v9  }
0x67: {  	v21 =	vld [tilespmem:s0+$0x21B0];
	v16 =	vmul.f32 v8, v8;
	v18 =	vmul.f32 v11, v11;
	(xrf2) =	vadd.scan.msk.f32 $0xffff, v10  }
0x68: {  	v26 =	vld [tilespmem:s0+$0x4190]  }
0x69: {  	v19 =	vld [tilespmem:s0+$0x21A0];
	v12 =	vadd.f32 v15, v13;
	v13 =	vadd.f32 v18, v16  }
0x6a: {  	v20 =	vld [tilespmem:s0+$0x1B0]  }
0x6b: {  	v15 =	vld [tilespmem:s0+$0x190];
	v10 =	vadd.f32 v13, v12  }
0x6c: {  	v16 =	vld [tilespmem:s0+$0x2190]  }
0x6d: {  	v13 =	vld [tilespmem:s0+$0x180];
	(xrf2) =	vadd.scan.msk.f32 $0xffff, v10  }
0x6e: {  	v10 =	vld [tilespmem:s0+$0x2180];
	s15 =	spop (v2sf)  }
0x6f: {  	v18 =	vld [tilespmem:s0+$0x1A0];
	s14 =	smul.f32 $1.562500000e-02, s15  }
0x70: {  	v12 =	vld [tilespmem:s0+$0x4180]  }
0x71: {  	v27 =	vld [tilespmem:s0+$0x41B0];
	v25, _, _ =	vpop (xrf2);
	s16 =	spop (v2sf);
	s1 =	smul.f32 s14, s14  }
0x72: {  	(v2sf) =	vpush v25, $0xF;
	v25 =	vld [tilespmem:s0+$0x41A0];
	s2 =	smul.f32 $1.562500000e-02, s16  }
0x73: {  	v10 =	vadd.f32 v10, v13;
	v13 =	vadd.f32 v16, v15  }
0x74: {  	v15 =	vadd.f32 v19, v18;
	v16 =	vadd.f32 v21, v20;
	s1 =	ssub.f32 s2, s1  }
0x75: {  	v10 =	vadd.f32 v12, v10;
	v12 =	vadd.f32 v26, v13  }
0x76: {  	v16 =	vadd.f32 v27, v16;
	s1 =	smax.f32 s1, $0.0e+00  }
0x77: {  	v18 =	vadd.f32 v12, v10;
	v28, _, _ =	vpop (xrf2);
	v13 =	vadd.f32 v25, v15;
	s1 =	sadd.f32 $9.999999960e-13, s1  }
0x78: {  	v29 =	vmul.f32 v12, v12;
	v32 =	vmul.f32 v16, v16;
	(v2sf) =	vpush v28, $0xF  }
0x79: {  	s6 =	simm.s32 $0xC0;
	v21 =	vadd.f32 v16, v13;
	v31 =	vmul.f32 v13, v13;
	v20 =	vmov s1  }
0x7a: {  	v33 =	vld [tilespmem:s6+$0x1A0];
	v26 =	vshra.s32 v20, $0x1;
	v28 =	vmul.f32 $5.000000000e-01, v20;
	v20 =	vmul.f32 v10, v10  }
0x7b: {  	v62 =	vld [tilespmem:s6+$0x21B0];
	v18 =	vadd.f32 v21, v18  }
0x7c: {  	v19 =	vld [tilespmem:s6+$0x180];
	v20 =	vadd.f32 v29, v20;
	v29 =	vadd.f32 v32, v31  }
0x7d: {  	v27 =	vld [tilespmem:s6+$0x190];
	(xrf2) =	vadd.scan.msk.f32 $0xffff, v18  }
0x7e: {  	v21 =	vld [tilespmem:s6+$0x2190];
	v26 =	vsub.s32 $0x5F3759DF, v26;
	v20 =	vadd.f32 v29, v20  }
0x7f: {  	v25 =	vld [tilespmem:s6+$0x2180];
	v30 =	vmul.f32 v26, v28  }
0x80: {  	v15 =	vld [tilespmem:s6+$0x4180];
	(xrf2) =	vadd.scan.msk.f32 $0xffff, v20  }
0x81: {  	v18 =	vld [tilespmem:s6+$0x21A0];
	v30 =	vmul.f32 v26, v30  }
0x82: {  	v29 =	vld [tilespmem:s6+$0x4190]  }
0x83: {  	v31 =	vld [tilespmem:s6+$0x1B0];
	v21 =	vadd.f32 v21, v27;
	v30 =	vsub.f32 $1.500000000e+00, v30  }
0x84: {  	v34 =	vld [tilespmem:s6+$0x41A0];
	v19 =	vadd.f32 v25, v19;
	s26 =	spop (v2sf)  }
0x85: {  	v20 =	vld [tilespmem:s6+$0x41B0];
	s2 =	smul.f32 $1.562500000e-02, s26;
	v26 =	vmul.f32 v26, v30  }
0x86: {  	v19 =	vadd.f32 v15, v19  }
0x87: {  	v27 =	vadd.f32 v18, v33;
	s13 =	spop (v2sf);
	s1 =	smul.f32 s2, s2;
	v18 =	vadd.f32 v29, v21;
	v25 =	vmul.f32 v26, v28;
	v21, _, _ =	vpop (xrf2)  }
0x88: {  	v30 =	vadd.f32 v62, v31;
	s13 =	smul.f32 $1.562500000e-02, s13;
	(v2sf) =	vpush v21, $0xF  }
0x89: {  	v15 =	vadd.f32 v34, v27;
	v25 =	vmul.f32 v25, v26  }
0x8a: {  	s13 =	ssub.f32 s13, s1;
	v20 =	vadd.f32 v20, v30;
	v30 =	vadd.f32 v18, v19;
	v38, _, _ =	vpop (xrf2)  }
0x8b: {  	v63 =	vmul.f32 v19, v19;
	s1 =	simm.s32 $0x100;
	v29 =	vsub.f32 $1.500000000e+00, v25;
	(v2sf) =	vpush v38, $0xF  }
0x8c: {  	v35 =	vmul.f32 v18, v18;
	v27 =	vld [tilespmem:s1+$0x180];
	s13 =	smax.f32 s13, $0.0e+00;
	v34 =	vadd.f32 v20, v15;
	v36 =	vmul.f32 v20, v20  }
0x8d: {  	v31 =	vld [tilespmem:s1+$0x2180];
	s13 =	sadd.f32 $9.999999960e-13, s13;
	v26 =	vmul.f32 v29, v26;
	v29 =	vmul.f32 v15, v15  }
0x8e: {  	v32 =	vld [tilespmem:s1+$0x190];
	v33 =	vadd.f32 v35, v63;
	v34 =	vadd.f32 v34, v30  }
0x8f: {  	v35 =	vld [tilespmem:s1+$0x2190];
	v21 =	vmov s13;
	v37 =	vmul.f32 v26, v28;
	v29 =	vadd.f32 v36, v29  }
0x90: {  	v25 =	vld [tilespmem:s1+$0x4180];
	(xrf2) =	vadd.scan.msk.f32 $0xffff, v34;
	v28 =	vshra.s32 v21, $0x1;
	v21 =	vmul.f32 $5.000000000e-01, v21  }
0x91: {  	v38 =	vld [tilespmem:s1+$0x1B0];
	v28 =	vsub.s32 $0x5F3759DF, v28;
	v39 =	vmul.f32 v37, v26;
	v29 =	vadd.f32 v29, v33  }
0x92: {  	v36 =	vld [tilespmem:s1+$0x1A0];
	v40 =	vmul.f32 v28, v21  }
0x93: {  	v37 =	vld [tilespmem:s1+$0x21A0];
	v39 =	vsub.f32 $1.500000000e+00, v39;
	(xrf2) =	vadd.scan.msk.f32 $0xffff, v29  }
0x94: {  	v30 =	vmov s14;
	v41 =	vmul.f32 v28, v40;
	v40 =	vld [tilespmem:s1+$0x21B0]  }
0x95: {  	v34 =	vsub.f32 v24, v30;
	v33 =	vsub.f32 v23, v30;
	v23 =	vld [tilespmem:s1+$0x4190];
	v26 =	vmul.f32 v39, v26  }
0x96: {  	s14 =	simm.s32 $0x500;
	v29 =	vsub.f32 v22, v30;
	v39 =	vsub.f32 $1.500000000e+00, v41  }
.LBB2_3:
0x97: {  	p0 =	sne.s32 s14, $0x7F00;
	v22 =	vld [tilespmem:s1+$0x41A0];
	s13 =	spop (v2sf);
	v24 =	vmul.f32 v26, v33;
	v30 =	vsub.f32 v17, v30;
	v17 =	vmul.f32 v26, v34;
	v41 =	vmovc v9  }
0x98: {  	v27 =	vadd.f32 v31, v27;
	v31 =	vadd.f32 v35, v32;
	v9 =	vmovc v12;
	v32 =	vld [tilespmem:s1+$0x41B0];
	s16 =	smul.f32 $1.562500000e-02, s13;
	v28 =	vmul.f32 v28, v39  }
0x99: {  	v33 =	vadd.f32 v37, v36;
	v12 =	vmovc v18;
	v34 =	vadd.f32 v40, v38;
	v35 =	vmul.f32 v17, v3  }
0x9a: {  	v42 =	vadd.f32 v25, v27;
	v18 =	vadd.f32 v23, v31;
	v23, _, _ =	vpop (xrf2);
	s13 =	smul.f32 s16, s16;
	s15 =	spop (v2sf);
	v25 =	vmul.f32 v28, v21  }
0x9b: {  	(v2sf) =	vpush v23, $0xF;
	s15 =	smul.f32 $1.562500000e-02, s15;
	v23 =	vmul.f32 v26, v29;
	v27 =	vadd.f32 v35, v7;
	v17 =	vmovc v8;
	v8 =	vmovc v13  }
0x9c: {  	v26 =	vmul.f32 v26, v30;
	v13 =	vmovc v15;
	v25 =	vmul.f32 v25, v28;
	v15 =	vadd.f32 v22, v33  }
0x9d: {  	v24 =	vmul.f32 v24, v0;
	v29 =	vadd.f32 v18, v42;
	v22 =	vadd.f32 v32, v34;
	v30, _, _ =	vpop (xrf2);
	s15 =	ssub.f32 s15, s13;
	[tilespmem:s30+$0x61B0] =	vst v27  }
0x9e: {  	s13 =	sshra.s32 s14, $0x2;
	v32 =	vmul.f32 v42, v42;
	v34 =	vmovc v11;
	v11 =	vmovc v16;
	(v2sf) =	vpush v30, $0xF;
	v30 =	vsub.f32 $1.500000000e+00, v25  }
0x9f: {  	v35 =	vmul.f32 v18, v18;
	v16 =	vmovc v20;
	v36 =	vmul.f32 v15, v15;
	v25 =	vld [tilespmem:s13+$0x4180];
	v33 =	vadd.f32 v22, v15;
	s15 =	smax.f32 s15, $0.0e+00  }
0xa0: {  	v24 =	vadd.f32 v24, v4;
	v37 =	vmul.f32 v22, v22;
	v20 =	vmovc v22;
	v27 =	vld [tilespmem:s13+$0x180];
	s15 =	sadd.f32 $9.999999960e-13, s15;
	v39 =	vmul.f32 v30, v28  }
0xa1: {  	v23 =	vmul.f32 v23, v1;
	v28 =	vadd.f32 v35, v32;
	v31 =	vld [tilespmem:s13+$0x2180];
	v22 =	vadd.f32 v33, v29  }
0xa2: {  	v29 =	vadd.f32 v37, v36;
	v32 =	vld [tilespmem:s13+$0x190];
	v30 =	vmov s15;
	v33 =	vmul.f32 v39, v21;
	[tilespmem:s30+$0x6180] =	vst v24  }
0xa3: {  	v24 =	vmul.f32 v26, v2;
	v35 =	vld [tilespmem:s13+$0x2190];
	(xrf2) =	vadd.scan.msk.f32 $0xffff, v22;
	v22 =	vshra.s32 v30, $0x1;
	v21 =	vmul.f32 $5.000000000e-01, v30  }
0xa4: {  	v26 =	vadd.f32 v29, v28;
	v36 =	vld [tilespmem:s13+$0x1A0];
	v28 =	vsub.s32 $0x5F3759DF, v22;
	v22 =	vmul.f32 v33, v39  }
.Ltmp0:
0xa5: {  	v23 =	vadd.f32 v23, v5;
	v24 =	vadd.f32 v24, v6;
	v37 =	vld [tilespmem:s13+$0x21A0];
	v29 =	vmul.f32 v28, v21;
	(pc) =	sbr.rel @p0 .LBB2_3-.Ltmp0, $4  }
0xa6: {  	v38 =	vld [tilespmem:s13+$0x1B0];
	(xrf2) =	vadd.scan.msk.f32 $0xffff, v26;
	v22 =	vsub.f32 $1.500000000e+00, v22  }
0xa7: {  	v30 =	vmov s2;
	s2 =	smov.u32 s16;
	v40 =	vld [tilespmem:s13+$0x21B0];
	v29 =	vmul.f32 v28, v29;
	[tilespmem:s30+$0x6190] =	vst v23  }
0xa8: {  	v33 =	vsub.f32 v14, v30;
	v34 =	vsub.f32 v34, v30;
	v23 =	vld [tilespmem:s13+$0x4190];
	v26 =	vmul.f32 v22, v39;
	[tilespmem:s30+$0x61A0] =	vst v24;
	s30 =	smov.u32 s31;
	s31 =	smov.u32 s0;
	s0 =	smov.u32 s6  }
0xa9: {  	s14 =	sadd.s32 $0x100, s14;
	v14 =	vmovc v10;
	v10 =	vmovc v19;
	v19 =	vmov v42;
	s6 =	smov.u32 s1;
	s1 =	smov.u32 s13;
	v39 =	vsub.f32 $1.500000000e+00, v29;
	v29 =	vsub.f32 v41, v30  }
0xaa: {  	v22 =	vld [tilespmem:s1+$0x41A0]  }
0xab: {  	v41 =	vld [tilespmem:s1+$0x41B0];
	_ =	sdelay $0x1  }
0xac: {  	v24 =	vadd.f32 v31, v27;
	v56 =	vadd.f32 v35, v32  }
0xad: {  	v57 =	vadd.f32 v37, v36;
	v58 =	vadd.f32 v40, v38  }
0xae: {  	v24 =	vadd.f32 v25, v24;
	v23 =	vadd.f32 v23, v56  }
0xaf: {  	v22 =	vadd.f32 v22, v57;
	v25 =	vadd.f32 v41, v58  }
0xb0: {  	v59 =	vmul.f32 v24, v24  }
0xb1: {  	v27 =	vadd.f32 v23, v24;
	v60 =	vmul.f32 v23, v23;
	v32 =	vadd.f32 v25, v22  }
0xb2: {  	v61 =	vmul.f32 v22, v22;
	v62 =	vmul.f32 v25, v25  }
0xb3: {  	v27 =	vadd.f32 v32, v27  }
0xb4: {  	v31 =	vadd.f32 v60, v59;
	v63 =	vadd.f32 v62, v61  }
0xb5: {  	(xrf2) =	vadd.scan.msk.f32 $0xffff, v27  }
0xb6: {  	v36 =	vadd.f32 v63, v31;
	_ =	sdelay $0x1  }
0xb7: {  	v37, _, _ =	vpop (xrf2);
	(xrf2) =	vadd.scan.msk.f32 $0xffff, v36  }
0xb8: {  	(v2sf) =	vpush v37, $0xF;
	_ =	sdelay $0x1  }
0xb9: {  	v38, _, _ =	vpop (xrf2)  }
0xba: {  	(v2sf) =	vpush v38, $0xF;
	_ =	sdelay $0x2  }
0xbb: {  	v40, _, _ =	vpop (xrf2)  }
0xbc: {  	s13 =	spop (v2sf);
	(v2sf) =	vpush v40, $0xF;
	_ =	sdelay $0x1  }
0xbd: {  	s13 =	smul.f32 $1.562500000e-02, s13;
	v41, _, _ =	vpop (xrf2)  }
0xbe: {  	s15 =	spop (v2sf);
	(v2sf) =	vpush v41, $0xF  }
0xbf: {  	s14 =	smul.f32 s13, s13  }
0xc0: {  	s15 =	smul.f32 $1.562500000e-02, s15;
	_ =	sdelay $0x1  }
0xc1: {  	s14 =	ssub.f32 s15, s14  }
0xc2: {  	s16 =	spop (v2sf)  }
0xc3: {  	s14 =	smax.f32 s14, $0.0e+00;
	s16 =	smul.f32 $1.562500000e-02, s16  }
0xc4: {  	s14 =	sadd.f32 $9.999999960e-13, s14  }
0xc5: {  	s15 =	spop (v2sf);
	s26 =	smul.f32 s16, s16  }
0xc6: {  	v42 =	vmul.f32 v28, v39;
	s15 =	smul.f32 $1.562500000e-02, s15  }
0xc7: {  	v34 =	vmul.f32 v26, v34;
	v43 =	vmov s14  }
0xc8: {  	v28 =	vmul.f32 v42, v21;
	v44 =	vshra.s32 v43, $0x1;
	v31 =	vmul.f32 $5.000000000e-01, v43;
	s14 =	ssub.f32 s15, s26  }
0xc9: {  	v33 =	vmul.f32 v26, v33;
	v17 =	vsub.f32 v17, v30;
	v32 =	vsub.s32 $0x5F3759DF, v44;
	s15 =	spop (v2sf)  }
0xca: {  	v49 =	vmov s2;
	v28 =	vmul.f32 v28, v42;
	v45 =	vmul.f32 v32, v31;
	s26 =	smax.f32 s14, $0.0e+00;
	s14 =	smul.f32 $1.562500000e-02, s15  }
0xcb: {  	v29 =	vmul.f32 v26, v29;
	v14 =	vsub.f32 v14, v49;
	v11 =	vsub.f32 v11, v49;
	s15 =	sadd.f32 $9.999999960e-13, s26  }
0xcc: {  	v9 =	vsub.f32 v9, v49;
	v28 =	vsub.f32 $1.500000000e+00, v28;
	v46 =	vmul.f32 v32, v45;
	s26 =	spop (v2sf);
	s2 =	smul.f32 s14, s14  }
0xcd: {  	v8 =	vsub.f32 v8, v49;
	v47 =	vmul.f32 v34, v3;
	v17 =	vmul.f32 v26, v17;
	s26 =	smul.f32 $1.562500000e-02, s26  }
0xce: {  	v52 =	vmul.f32 v33, v0;
	v27 =	vmul.f32 v28, v42;
	v28 =	vsub.f32 $1.500000000e+00, v46  }
0xcf: {  	v29 =	vmul.f32 v29, v1;
	v39 =	vmov s13;
	v51 =	vadd.f32 v47, v7;
	s2 =	ssub.f32 s26, s2  }
0xd0: {  	v48 =	vmul.f32 v27, v21;
	v28 =	vmul.f32 v32, v28;
	v50 =	vmov s15  }
0xd1: {  	v30 =	vadd.f32 v52, v4;
	v53 =	vshra.s32 v50, $0x1;
	v54 =	vmul.f32 $5.000000000e-01, v50;
	s2 =	smax.f32 s2, $0.0e+00  }
0xd2: {  	v21 =	vmul.f32 v48, v27;
	v55 =	vmul.f32 v28, v31;
	v32 =	vsub.s32 $0x5F3759DF, v53;
	s2 =	sadd.f32 $9.999999960e-13, s2  }
0xd3: {  	v17 =	vmul.f32 v17, v2;
	v16 =	vsub.f32 v16, v39;
	v56 =	vmul.f32 v32, v54  }
0xd4: {  	v21 =	vsub.f32 $1.500000000e+00, v21;
	v57 =	vmul.f32 v55, v28;
	v59 =	vmov s2  }
0xd5: {  	v58 =	vmul.f32 v32, v56;
	v60 =	vshra.s32 v59, $0x1;
	v36 =	vmul.f32 $5.000000000e-01, v59  }
0xd6: {  	v21 =	vmul.f32 v21, v27;
	v27 =	vsub.f32 $1.500000000e+00, v57;
	v61 =	vsub.s32 $0x5F3759DF, v60  }
0xd7: {  	v10 =	vsub.f32 v10, v39;
	v35 =	vsub.f32 $1.500000000e+00, v58;
	v62 =	vmul.f32 v61, v36  }
0xd8: {  	v12 =	vsub.f32 v12, v39;
	v14 =	vmul.f32 v21, v14;
	v27 =	vmul.f32 v27, v28  }
0xd9: {  	v13 =	vsub.f32 v13, v39;
	v32 =	vmul.f32 v32, v35;
	v35 =	vmul.f32 v61, v62  }
0xda: {  	v29 =	vadd.f32 v29, v5;
	v11 =	vmul.f32 v21, v11;
	v31 =	vmul.f32 v27, v31  }
0xdb: {  	v9 =	vmul.f32 v21, v9;
	v63 =	vmul.f32 v32, v54;
	v38 =	vsub.f32 $1.500000000e+00, v35  }
0xdc: {  	v17 =	vadd.f32 v17, v6;
	v8 =	vmul.f32 v21, v8;
	v31 =	vmul.f32 v31, v27  }
0xdd: {  	v43 =	vmov s16;
	v37 =	vmul.f32 v63, v32;
	v28 =	vmul.f32 v61, v38  }
0xde: {  	v11 =	vmul.f32 v11, v3;
	v14 =	vmul.f32 v14, v0;
	v31 =	vsub.f32 $1.500000000e+00, v31  }
0xdf: {  	v9 =	vmul.f32 v9, v1;
	v21 =	vsub.f32 $1.500000000e+00, v37;
	v40 =	vmul.f32 v28, v36  }
0xe0: {  	v8 =	vmul.f32 v8, v2;
	v20 =	vsub.f32 v20, v43;
	v27 =	vmul.f32 v31, v27  }
0xe1: {  	v45 =	vsub.f32 v19, v43;
	v21 =	vmul.f32 v21, v32;
	v31 =	vmul.f32 v40, v28  }
0xe2: {  	v49 =	vsub.f32 v18, v43;
	v11 =	vadd.f32 v11, v7;
	v16 =	vmul.f32 v27, v16  }
0xe3: {  	v10 =	vmul.f32 v27, v10;
	v32 =	vmul.f32 v21, v54;
	v31 =	vsub.f32 $1.500000000e+00, v31  }
0xe4: {  	v14 =	vadd.f32 v14, v4;
	v12 =	vmul.f32 v27, v12;
	v13 =	vmul.f32 v27, v13  }
0xe5: {  	[tilespmem:s30+$0x61B0] =	vst v51;
	v9 =	vadd.f32 v9, v5;
	v32 =	vmul.f32 v32, v21;
	v42 =	vmul.f32 v31, v28  }
0xe6: {  	[tilespmem:s30+$0x6180] =	vst v30;
	v8 =	vadd.f32 v8, v6;
	v16 =	vmul.f32 v16, v3;
	v10 =	vmul.f32 v10, v0  }
0xe7: {  	[tilespmem:s30+$0x6190] =	vst v29;
	v12 =	vmul.f32 v12, v1;
	v41 =	vsub.f32 $1.500000000e+00, v32;
	v44 =	vmul.f32 v42, v36  }
0xe8: {  	[tilespmem:s30+$0x61A0] =	vst v17;
	v13 =	vmul.f32 v13, v2;
	v50 =	vsub.f32 v15, v43;
	v16 =	vadd.f32 v16, v7  }
0xe9: {  	[tilespmem:s31+$0x61B0] =	vst v11;
	v10 =	vadd.f32 v10, v4;
	v21 =	vmul.f32 v41, v21;
	v48 =	vmul.f32 v44, v42  }
0xea: {  	[tilespmem:s31+$0x6180] =	vst v14;
	v46 =	vadd.f32 v12, v5;
	v13 =	vadd.f32 v13, v6;
	v53 =	vmov s14  }
0xeb: {  	[tilespmem:s31+$0x6190] =	vst v9;
	v57 =	vsub.f32 v23, v53;
	v47 =	vmul.f32 v21, v20;
	v51 =	vsub.f32 $1.500000000e+00, v48  }
0xec: {  	[tilespmem:s31+$0x61A0] =	vst v8;
	v56 =	vsub.f32 v24, v53;
	v17 =	vmul.f32 v21, v45;
	v8 =	vmul.f32 v21, v49  }
0xed: {  	[tilespmem:s0+$0x61B0] =	vst v16;
	v54 =	vsub.f32 v25, v53;
	v12 =	vmul.f32 v47, v3;
	v15 =	vmul.f32 v51, v42  }
0xee: {  	[tilespmem:s0+$0x6180] =	vst v10;
	v59 =	vsub.f32 v22, v53;
	v9 =	vmul.f32 v21, v50;
	v52 =	vmul.f32 v17, v0  }
0xef: {  	[tilespmem:s0+$0x6190] =	vst v46;
	v8 =	vmul.f32 v8, v1;
	v12 =	vadd.f32 v12, v7;
	v16 =	vmul.f32 v15, v54  }
0xf0: {  	[tilespmem:s0+$0x61A0] =	vst v13;
	v9 =	vmul.f32 v9, v2;
	v55 =	vadd.f32 v52, v4;
	v58 =	vmul.f32 v15, v56  }
0xf1: {  	v8 =	vadd.f32 v8, v5;
	[tilespmem:s6+$0x61B0] =	vst v12;
	v61 =	vmul.f32 v15, v59;
	v60 =	vmul.f32 v16, v3  }
0xf2: {  	v9 =	vadd.f32 v9, v6;
	[tilespmem:s6+$0x6180] =	vst v55;
	v11 =	vmul.f32 v15, v57;
	v13 =	vmul.f32 v58, v0  }
0xf3: {  	[tilespmem:s6+$0x6190] =	vst v8;
	v10 =	vmul.f32 v61, v2;
	v8 =	vadd.f32 v60, v7  }
0xf4: {  	[tilespmem:s6+$0x61A0] =	vst v9;
	v11 =	vmul.f32 v11, v1;
	v62 =	vadd.f32 v13, v4  }
0xf5: {  	v63 =	vadd.f32 v10, v6;
	[tilespmem:s1+$0x61B0] =	vst v8  }
0xf6: {  	s28 =	sadd.s32 $0x1, s28;
	v8 =	vadd.f32 v11, v5;
	[tilespmem:s1+$0x6180] =	vst v62  }
0xf7: {  	p0 =	sne.s32 s28, $0xC8;
	s31 =	sshll.u32 s29, $0x3;
	[tilespmem:s1+$0x61A0] =	vst v63  }
.Ltmp1:
0xf8: {  	s0 =	sadd.s32 s3, s31;
	[tilespmem:s1+$0x6190] =	vst v8;
	(pc) =	sbr.rel @p0 .LBB2_2-.Ltmp1, $4  }
0xf9: {  	[hbm4b:s0+s4] =	stream.linear.scatter [tilespmem:s24], [sflag:$0x3], $0x2000, $0x38;
	[tilespmem:$0x8200] =	vst v63  }
0xfa: {  	_ =	swait.ge [sflag:s25], $0x2000  }
0xfb: {  	[sflag:s25] =	ssyncset.done $0x0  }
0xfc: {  	[sflag:s25] =	ssyncadd.s32 $0xFFFFE000  }
0xfd: {  	s1 =	rddreg [dreg:$0x6]  }
0xfe: {  	s0 =	rddreg [dreg:$0x5];
	s1 =	sadd.s32 $0x1, s1  }
0xff: {  	p0 =	sne.s32 s1, s0  }
.Ltmp2:
0x100: {  	_ = 	snop;
	(pc) =	sbr.rel @p0 .LBB2_1-.Ltmp2, $1  }
0x101: {  	_ =	sdelay $0x3  }
0x102: {  	_ =	sfence.sel $0x180000  }
0x103: {  	[bflag:$0x0] =	sbarrier.arrive $0xFFFF  }
0x104: {  	_ =	strace $0x90000047  }
0x105: {  	s0 =	stileid.u32;
	[bflag:$0x2] =	sbarrier.arrive $0xFFFF  }
0x106: {  	p0 =	sne.s32 s0, $0x0;
	s0 =	rddreg [dreg:$0x4]  }
0x107: {  	s0 =	sadd.s32 @!p0 $0x100000, s0  }
0x108: {  	[sflag:s0] =	ssyncadd.tile.s32 @!p0 $0x1;
	_ =	shalt  }
.Lfunc_end2:
_tile_overlayer_lowered:
.L_overlay_start_2:
0x109: {  	(tag) =	ssettag $0x2  }
0x10a: {  	s0 =	rddreg [dreg:$0x0];
	s2 =	stileid.u32  }
0x10b: {  	s1 =	rddreg [dreg:$0x1];
	p0 =	sne.s32 s2, $0x0  }
0x10c: {  	s3 =	rddreg [dreg:$0x2];
	[bflag:$0x3] =	sbarrier.arrive $0xFFFF;
	s2 =	simm.s32 @!p0 $0x1C04  }
0x10d: {  	[timem:s3], [sflag:s2] =	dma.local @!p0 [hbm:s0], s1  }
0x10e: {  	s0 =	simm.s32 @!p0 $0x4  }
0x10f: {  	_ =	swait.ge @!p0 [sflag:s0], s1  }
0x110: {  	s1 =	ssub.s32 @!p0 $0x0, s1;
	[sflag:s0] =	ssyncset.done @!p0 $0x0  }
0x111: {  	[sflag:s0] =	ssyncadd.s32 @!p0 s1  }
0x112: {  	[bflag:$0x3] =	sbarrier.arrive $0xFFFF  }
0x113: {  	_ =	shalt  }

// kernel: sparse-core-data-format-call.cloned.1.call-start
scs
called_computation_lowered:
.L_overlay_start_0:
0x0: {  	s2 =	sld [smem:$0x3FD9]  }
0x1: {  	s3 =	sld [smem:$0x3FFE];
	_ =	sdelay $0x1  }
0x2: {  	s1 =	srdreg.scid  }
0x3: {  	s0 =	sand.u32 $0x1, s1  }
0x4: {  	s18 =	sshll.u32 s0, $0xA;
	s2 =	sadd.s32 s3, s2  }
0x5: {  	s2 =	sadd.s32 s2, s18  }
0x6: {  	[smem:$0x3FBF] =	sst s2  }
0x7: {  	_ = 	snop  }
0x8: {  	s2 =	sld [smem:$0x3FD0];
	(tm) =	ssettm $0x1  }
0x9: {  	s19 =	sld [smem:$0x3FFB];
	_ =	sdelay $0x3  }
0xa: {  	_ =	strace s19  }
0xb: {  	s3 =	sld [smem:$0x3FFC];
	_ =	sdelay $0x3  }
0xc: {  	_ =	strace s3  }
0xd: {  	s3 =	sld [smem:$0x3FFD];
	_ =	sdelay $0x3  }
0xe: {  	_ =	strace s3  }
0xf: {  	_ =	strace $0x8FFFFFFF  }
0x10: {  	s20 =	sld [smem:$0x3FDB];
	_ =	sdelay $0x1  }
0x11: {  	s4 =	simm.s32 $_scs_section_size  }
0x12: {  	s5 =	simm.s32 $_size__tile_overlayer_lowered;
	s6 =	simm.s32 $_tile_overlayer_lowered  }
0x13: {  	s23 =	simm.s32 $0x1BFF;
	s22 =	sshll.u32 s6, $0x1;
	s3 =	sadd.s32 s4, s20  }
0x14: {  	s7 =	simm.s32 $0x0;
	s21 =	sshll.u32 s5, $0x1;
	s5 =	sadd.s32 s22, s3  }
0x15: {  	[timem:s7], [sflag:s23] =	dma.local [hbm:s5], s21  }
0x16: {  	_ =	swait.ge [sflag:s23], s21  }
0x17: {  	s4 =	ssub.s32 $0x0, s21;
	[sflag:s23] =	ssyncset.done $0x0  }
0x18: {  	[sflag:s23] =	ssyncadd.s32 s4;
	_ =	sdelay $0x1  }
0x19: {  	s24 =	simm.s32 $0x1B8B  }
0x1a: {  	_ =	swait.ge [sflag:s24], $0x1  }
0x1b: {  	[sflag:s24] =	ssyncset.done $0x0  }
0x1c: {  	s26 =	simm.s32 $0x1B8E;
	s25 =	sld [smem:$0x3FFE];
	[sflag:s24] =	ssyncadd.s32 $0xFFFFFFFF  }
0x1d: {  	s27 =	simm.s32 $execute0_lowered;
	[smem:$0x3FD2] =	sst s26  }
0x1e: {  	s5 =	sshll.u32 s27, $0x1;
	_ =	strace $0x80000049;
	[dreg:$0x1] =	wrdreg $0xFFFFFFFF  }
0x1f: {  	s28 =	simm.s32 $_size_execute0_lowered;
	s3 =	sadd.s32 s3, s5;
	[dreg:$0x0] =	wrdreg $0x0  }
0x20: {  	s5 =	sshll.u32 s28, $0x1;
	[dreg:$0x2] =	wrdreg s3  }
0x21: {  	[dreg:$0x3] =	wrdreg s5  }
0x22: {  	[dreg:$0x4] =	wrdreg $0xC0  }
0x23: {  	_ =	task [dreg:s7], $0x5FFFF  }
0x24: {  	[dreg:$0x1] =	wrdreg $0xFFFFFFFF  }
0x25: {  	[dreg:$0x0] =	wrdreg $0x60  }
0x26: {  	[dreg:$0x2] =	wrdreg s25  }
0x27: {  	[dreg:$0x3] =	wrdreg s2  }
0x28: {  	[dreg:$0x4] =	wrdreg $0x9  }
0x29: {  	_ =	task.clear_ibuf [dreg:s7], $0x5FFFF;
	_ =	strace $0x90000049  }
0x2a: {  	s29 =	simm.s32 $0x9;
	_ =	strace $0x8000004B  }
0x2b: {  	_ =	swait.ge [sflag:s29], $0x1  }
0x2c: {  	[sflag:s29] =	ssyncadd.s32 $0xFFFFFFFF  }
0x2d: {  	_ =	strace $0x9000004B  }
0x2e: {  	_ =	sfence  }
0x2f: {  	s30 =	sld [smem:$0x0];
	_ =	sdelay $0x2  }
0x30: {  	s31 =	sshll.u32 s1, $0xD;
	s1 =	sshrl.u32 s1, $0x2  }
0x31: {  	s3 =	sand.u32 $0x4000, s31;
	s1 =	sadd.s32 s1, s30  }
0x32: {  	s0 =	sor.u32 s3, s0;
	s1 =	sshll.u32 s1, $0x11  }
0x33: {  	s0 =	sor.u32 s1, s0  }
0x34: {  	s0 =	sadd.s32 $0x8F2B, s0  }
0x35: {  	[sflag:s0] =	ssyncadd.remote.s32 $0x1  }
0x36: {  	_ =	sfence.sel $0xFFFF  }
0x37: {  	[dreg:$0x0] =	wrdreg $0xFFFFFFFF;
	(pc) =	sbr.abs _section_cstart, $3  }
0x38: {  	[dreg:$0x1] =	wrdreg $0xFFFFFFFF  }
0x39: {  	_ =	task.clear_ibuf [dreg:s7], $0x2FFFF;
	_ =	strace $0x9FFFFFFF  }
0x3a: {  	(tm) =	ssettm $0x7FFFFFFF  }
0x3b: {  	_ =	shalt  }
tec
execute0_lowered:
.L_overlay_start_1:
0x0: {  	(tag) =	ssettag $0x1  }
0x1: {  	s0 =	srdreg.scid  }
0x2: {  	s1 =	sshll.u32 s0, $0x4  }
0x3: {  	s0 =	stileid.u32;
	s1 =	sand.u32 $0x10, s1  }
0x4: {  	s1 =	sor.u32 s0, s1  }
0x5: {  	s6 =	rddreg [dreg:$0x0];
	s4 =	simm.s32 $0x1;
	s2 =	sshll.u32 s1, $0x7  }
0x6: {  	s7 =	simm.s32 $0x2;
	s12 =	simm.s32 $0x0;
	s1 =	ssub.s32 $0x1000, s2  }
0x7: {  	s8 =	simm.s32 $0x8000;
	s13 =	simm.s32 $0x0;
	s3 =	sand.u32 $0xF80, s1  }
0x8: {  	s9 =	simm.s32 $0x0;
	s5 =	sshrl.u32 s1, $0xC;
	p0 =	sne.s32 s3, $0x0  }
.Ltmp0:
0x9: {  	s1 =	rddreg [dreg:$0x2];
	s4 =	simm.s32 @!p0 $0x0;
	(pc) =	sbr.rel .LBB1_1-.Ltmp0, $4  }
0xa: {  	s11 =	simm.s32 $0x0;
	s3 =	rddreg [dreg:$0x1];
	s5 =	sadd.s32 s4, s5  }
0xb: {  	_ =	strace $0x8000004A;
	s4 =	simm.s32 $0x1;
	s5 =	smul.u32 $0xC8, s5  }
0xc: {  	s6 =	sadd.s32 $0x1000, s6;
	s10 =	smov.u32 s2;
	[sflag:s4] =	ssyncpa.u1 $0x0  }
0xd: {  	p0 =	por $0x0, $0x0;
	[sflag:s7] =	ssyncpa.u1 $0x0;
	s7 =	sor.u32 $0x1, s5  }
.LBB1_4:
0xe: {  	s16 =	sshll.u32 s13, $0x3;
	s17 =	sand.u32 $0x78, s13  }
0xf: {  	s30 =	sand.u32 $0x7E00, s13;
	s12 =	sshll.u32 s12, $0xF;
	s16 =	sand.u32 $0xC00, s16  }
0x10: {  	[tilespmem:s15+$0x810 ss:$0x81] =	vst.msk $0xffff, v2;
	s31 =	sand.u32 $0x7, s13;
	s16 =	sor.u32 s17, s16;
	s17 =	sadd.s32 s3, s30  }
0x11: {  	[tilespmem:s15+$0x1020 ss:$0x81] =	vst.msk $0xffff, v0;
	s13 =	sshll.u32 s31, $0x12;
	s12 =	sadd.s32 s12, s17;
	s16 =	sshrl.u32 s16, $0x3  }
0x12: {  	[tilespmem:s15+$0x0 ss:$0x81] =	vst.msk $0xffff, v1;
	s13 =	sor.u32 $0x400, s13;
	s12 =	sadd.s32 s16, s12  }
0x13: {  	[hbm4b:s12+s13] =	stream.strided.scatter [tilespmem:s14], [sflag:$0x2], $0x2000, s8, s13, $0x20;
	[tilespmem:$0x8080] =	vst v63  }
.LBB1_5:
0x14: {  	s14 =	sadd.s32 $0x1, s9  }
0x15: {  	s12 =	sadd.s32 $0x1000, s10;
	s16 =	smov.u32 s10;
	p2 =	sgt.s32 s14, $0xC7  }
0x16: {  	s16 =	smov.u32 @p2 s12  }
0x17: {  	s14 =	simm.s32 @p2 $0x0;
	p2 =	sgt.s32 s16, $0xFFF  }
0x18: {  	s16 =	smov.u32 @p2 s2;
	p2 =	sne.s32 s11, s7  }
.Ltmp1:
0x19: {  	p1 =	slt.u32 s11, $0x2;
	(pc) =	sbr.rel @!p2 .LBB1_6-.Ltmp1, $4  }
0x1a: {  	s15 =	simm.s32 @!p1 $0x2  }
0x1b: {  	s13 =	smov.u32 s10;
	p0 =	por !p0, !p0;
	_ =	swait.ge @!p1 [sflag:s15], $0x2000  }
0x1c: {  	s12 =	smov.u32 s9;
	[sflag:s15] =	ssyncset.done @!p1 $0x0;
	s9 =	smov.u32 s14  }
0x1d: {  	s11 =	sadd.s32 $0x1, s11;
	[sflag:s15] =	ssyncadd.s32 @!p1 $0xFFFFE000;
	s10 =	smov.u32 s16  }
.LBB1_1:
0x1e: {  	p1 =	sge.u32 s11, s5  }
0x1f: {  	s14 =	sand.u32 @!p1 $0x1FFFFFF, s9  }
0x20: {  	s15 =	smulhi.u32 @!p1 $0x147AE15, s14;
	_ =	sdelay $0x1  }
0x21: {  	s15 =	smul.u32 @!p1 $0xC8, s15  }
0x22: {  	s16 =	sxor.u32 @!p1 $0xFFFFFFFF, s11;
	s17 =	smul.u32 @!p1 $0xC80, s10  }
0x23: {  	s31 =	sadd.s32 $0xFFFFFFFF, s11;
	s16 =	sshll.u32 @!p1 s16, $0xD;
	s14 =	ssub.s32 @!p1 s14, s15  }
0x24: {  	s15 =	sand.u32 @!p1 $0x2000, s16;
	s16 =	sadd.s32 @!p1 s6, s17;
	s14 =	sshll.u32 @!p1 s14, $0x4  }
0x25: {  	s17 =	simm.s32 @!p1 $0x6400;
	s14 =	sadd.s32 @!p1 s14, s16;
	s16 =	simm.s32 @!p1 $0x40  }
0x26: {  	[tilespmem:s15], [sflag:$0x1] =	stream.strided.gather @!p1 [hbm4b:s14+s16], $0x2000, s17, s16, $0x38;
	[tilespmem:$0x8080] =	vst v63  }
0x27: {  	p1 =	sge.u32 s31, s5  }
.Ltmp2:
0x28: {  	_ = 	snop;
	(pc) =	sbr.rel @p1 .LBB1_5-.Ltmp2, $1  }
0x29: {  	_ =	sdelay $0x3  }
0x2a: {  	s14 =	simm.s32 $0x1  }
0x2b: {  	_ =	swait.ge [sflag:s4], $0x2000;
	s14 =	simm.s32 @!p0 $0x0  }
0x2c: {  	[sflag:s4] =	ssyncset.done $0x0;
	s15 =	sshll.u32 s14, $0xD  }
0x2d: {  	[sflag:s4] =	ssyncadd.s32 $0xFFFFE000;
	s18 =	sor.u32 $0x20, s15  }
0x2e: {  	s14 =	smul.u32 $0x8100, s14;
	v3 =	vld [tilespmem:s18+$0x10]  }
0x2f: {  	s30 =	sand.u32 $0x1, s11;
	v2 =	vld [tilespmem:s18+$0xFFFFFFF0]  }
0x30: {  	s15 =	smul.u32 $0x8100, s30;
	s14 =	sshrl.u32 s14, $0x2;
	v0 =	vld [tilespmem:s18+$0x0]  }
0x31: {  	v1 =	vld [tilespmem:s18+$0xFFFFFFE0];
	s16 =	sor.u32 $0x4000, s14  }
0x32: {  	s31 =	sshrl.u32 s15, $0x2;
	s15 =	sadd.s32 $0x0, s16  }
0x33: {  	s17 =	simm.s32 $0x4;
	s18 =	sadd.s32 $0x40, s18;
	s14 =	sor.u32 $0x4000, s31;
	[tilespmem:s15+$0x1830 ss:$0x81] =	vst.msk $0xffff, v3  }
.LBB1_3:
0x34: {  	v3 =	vld [tilespmem:s18+$0x10];
	p1 =	sne.s32 s17, $0x1FC;
	[tilespmem:s15+$0x810 ss:$0x81] =	vst.msk $0xffff, v2;
	s19 =	smov.u32 s17;
	s17 =	sadd.s32 $0x4, s17  }
.Ltmp3:
0x35: {  	v2 =	vld [tilespmem:s18+$0xFFFFFFF0];
	[tilespmem:s15+$0x1020 ss:$0x81] =	vst.msk $0xffff, v0;
	(pc) =	sbr.rel @p1 .LBB1_3-.Ltmp3, $4  }
0x36: {  	v0 =	vld [tilespmem:s18+$0x0];
	[tilespmem:s15+$0x0 ss:$0x81] =	vst.msk $0xffff, v1  }
0x37: {  	s15 =	sshra.s32 s19, $0x2;
	v1 =	vld [tilespmem:s18+$0xFFFFFFE0]  }
0x38: {  	s15 =	sadd.s32 s15, s16  }
0x39: {  	s18 =	sadd.s32 $0x40, s18;
	[tilespmem:s15+$0x1830 ss:$0x81] =	vst.msk $0xffff, v3  }
.Ltmp4:
0x3a: {  	_ = 	snop;
	(pc) =	sbr.rel .LBB1_4-.Ltmp4, $1  }
0x3b: {  	_ =	sdelay $0x3  }
.LBB1_6:
0x3c: {  	_ =	sfence.sel $0x180000  }
0x3d: {  	s2 =	simm.s32 $0x1;
	[bflag:$0x0] =	sbarrier.arrive $0xFFFF  }
0x3e: {  	s31 =	simm.s32 $0x2;
	[sflag:s2] =	ssyncpa.u1 $0x1  }
0x3f: {  	[sflag:s31] =	ssyncpa.u1 $0x1  }
0x40: {  	p0 =	sne.s32 s0, $0x0;
	_ =	strace $0x9000004A  }
0x41: {  	s0 =	sadd.s32 @!p0 $0x100000, s1;
	[bflag:$0x2] =	sbarrier.arrive $0xFFFF  }
0x42: {  	[sflag:s0] =	ssyncadd.tile.s32 @!p0 $0x1;
	_ =	shalt  }
.Lfunc_end1:
_tile_overlayer_lowered:
.L_overlay_start_2:
0x43: {  	(tag) =	ssettag $0x2  }
0x44: {  	s0 =	rddreg [dreg:$0x0];
	s2 =	stileid.u32  }
0x45: {  	s1 =	rddreg [dreg:$0x1];
	p0 =	sne.s32 s2, $0x0  }
0x46: {  	s3 =	rddreg [dreg:$0x2];
	[bflag:$0x3] =	sbarrier.arrive $0xFFFF;
	s2 =	simm.s32 @!p0 $0x1C01  }
0x47: {  	[timem:s3], [sflag:s2] =	dma.local @!p0 [hbm:s0], s1  }
0x48: {  	s0 =	simm.s32 @!p0 $0x1  }
0x49: {  	_ =	swait.ge @!p0 [sflag:s0], s1  }
0x4a: {  	s1 =	ssub.s32 @!p0 $0x0, s1;
	[sflag:s0] =	ssyncset.done @!p0 $0x0  }
0x4b: {  	[sflag:s0] =	ssyncadd.s32 @!p0 s1  }
0x4c: {  	[bflag:$0x3] =	sbarrier.arrive $0xFFFF  }
0x4d: {  	_ =	shalt  }

</sc_bundles>
